<compile_context>
chip_gen: v7x
topology: tpu7x:2x2x1
jax: 0.10.2.dev20260603
libtpu: 0.0.44.dev20260713+nightly
codegen_flags: <defaults>
</compile_context>

<pallas_src>
import functools

import jax
import jax.numpy as jnp
from jax import lax
from jax.experimental import pallas as pl
from jax.experimental.pallas import tpu as pltpu
from jax.experimental.pallas import tpu_sc as plsc

N = 10000
D = 128
E = 320000
NP = 10240
NC = 2
NS = 16
NW = NC * NS
CH = 128
K = 80
NBUF = 2
IB = 40
EP = NW * K * CH
RPT = NP // NS
BN = 1024
G = NP // BN
F32 = jnp.float32


def _sc_degree_body(dst_hbm, ones_hbm, zeros_hbm, out_hbm, idx_v, ones_v,
                    acc_sh, dsem):
    c = lax.axis_index("c")
    s = lax.axis_index("s")
    wid = s * NC + c
    pltpu.sync_copy(zeros_hbm, acc_sh.at[pl.ds(s * RPT, RPT)])
    pltpu.sync_copy(ones_hbm, ones_v)
    pltpu.sync_copy(dst_hbm.at[wid], idx_v)
    plsc.subcore_barrier()

    FK = 8

    def body(g, carry):
        for j in range(FK):
            pltpu.async_copy(ones_v, acc_sh.at[idx_v.at[g * FK + j]], dsem,
                             add=True)
        for j in range(FK):
            pltpu.make_async_copy(ones_v, acc_sh.at[idx_v.at[g * FK + j]],
                                  dsem).wait()
        return carry

    lax.fori_loop(0, K // FK, body, 0)
    plsc.subcore_barrier()
    pltpu.sync_copy(acc_sh.at[pl.ds(s * RPT, RPT)],
                    out_hbm.at[c, pl.ds(s * RPT, RPT)])


def _sc_scatter_body(msg_hbm, src_hbm, dst_hbm, zeros_hbm, out_hbm,
                     src_v, dst_v, rows, gsems, ssems, acc_sh):
    c = lax.axis_index("c")
    s = lax.axis_index("s")
    wid = s * NC + c
    pltpu.sync_copy(zeros_hbm, acc_sh.at[pl.ds(s * RPT, RPT)])
    plsc.subcore_barrier()

    def gather_desc(ch, b):
        return pltpu.make_async_copy(msg_hbm.at[src_v.at[ch]], rows[b],
                                     gsems[b])

    def scat_desc(ch, b):
        return pltpu.make_async_copy(rows[b], acc_sh.at[dst_v.at[ch]],
                                     ssems[b])

    def outer(ib, carry):
        pltpu.sync_copy(src_hbm.at[wid, pl.ds(ib * IB, IB)], src_v)
        pltpu.sync_copy(dst_hbm.at[wid, pl.ds(ib * IB, IB)], dst_v)
        for b in range(NBUF):
            gather_desc(b, b).start()

        def inner(jj, carry2):
            for b in range(NBUF):
                ch = jj * NBUF + b
                gather_desc(ch, b).wait()
                pltpu.async_copy(rows[b], acc_sh.at[dst_v.at[ch]], ssems[b],
                                 add=True)
                scat_desc(ch, b).wait()
                nxt = ch + NBUF

                @pl.when(nxt < IB)
                def _():
                    gather_desc(nxt, b).start()
            return carry2

        lax.fori_loop(0, IB // NBUF, inner, 0)
        return carry

    lax.fori_loop(0, K // IB, outer, 0)
    plsc.subcore_barrier()
    pltpu.sync_copy(acc_sh.at[pl.ds(s * RPT, RPT)],
                    out_hbm.at[c, pl.ds(s * RPT, RPT)])


_SC_CACHE = {}


def _sc_kernels():
    if not _SC_CACHE:
        mesh = plsc.VectorSubcoreMesh(
            core_axis_name="c", subcore_axis_name="s",
            num_cores=NC, num_subcores=NS)
        _SC_CACHE["deg"] = pl.kernel(
            _sc_degree_body,
            out_type=jax.ShapeDtypeStruct((NC, NP, 16), F32),
            mesh=mesh,
            scratch_types=[
                pltpu.VMEM((K, CH), jnp.int32),
                pltpu.VMEM((CH, 16), F32),
                pltpu.VMEM_SHARED((NP, 16), F32),
                pltpu.SemaphoreType.DMA,
            ],
        )
        _SC_CACHE["scat"] = pl.kernel(
            _sc_scatter_body,
            out_type=jax.ShapeDtypeStruct((NC, NP, D), F32),
            mesh=mesh,
            scratch_types=[
                pltpu.VMEM((IB, CH), jnp.int32),
                pltpu.VMEM((IB, CH), jnp.int32),
                [pltpu.VMEM((CH, D), F32) for _ in range(NBUF)],
                [pltpu.SemaphoreType.DMA for _ in range(NBUF)],
                [pltpu.SemaphoreType.DMA for _ in range(NBUF)],
                pltpu.VMEM_SHARED((NP, D), F32),
            ],
        )
    return _SC_CACHE["deg"], _SC_CACHE["scat"]



def _ln(h, gamma, beta):
    mu = jnp.mean(h, axis=-1, keepdims=True)
    var = jnp.mean((h - mu) ** 2, axis=-1, keepdims=True)
    return (h - mu) * lax.rsqrt(var + 1e-5) * gamma + beta


def _tc_embed_body(x_ref, nt_ref, emb_ref, win_ref, bin_ref, cnt_ref, wg_ref,
                   h0_ref, m1_ref, dinv_ref):
    tetab = jnp.dot(emb_ref[...], win_ref[D:, :], preferred_element_type=F32)
    nt = nt_ref[...]
    te = jnp.where(nt == 0, tetab[0:1, :],
                   jnp.where(nt == 1, tetab[1:2, :], tetab[2:3, :]))
    h0 = jnp.dot(x_ref[...], win_ref[:D, :], preferred_element_type=F32)
    h0 = jnp.maximum(h0 + te + bin_ref[...], 0.0)
    cnt = cnt_ref[...]
    dinv = lax.rsqrt(cnt[0, :, 0:1] + cnt[1, :, 0:1] + 1.0)
    h0_ref[...] = h0
    m1_ref[...] = dinv * jnp.dot(h0, wg_ref[...], preferred_element_type=F32)
    dinv_ref[...] = dinv


def _tc_mid_body(acc_ref, m_ref, hin_ref, dinv_ref, bg_ref, gam_ref, bet_ref,
                 wg_ref, hout_ref, mnext_ref):
    a = acc_ref[...]
    dinv = dinv_ref[...]
    conv = dinv * (a[0] + a[1] + m_ref[...]) + bg_ref[...]
    h = jnp.maximum(_ln(conv, gam_ref[...], bet_ref[...]), 0.0) + hin_ref[...]
    hout_ref[...] = h
    mnext_ref[...] = dinv * jnp.dot(h, wg_ref[...], preferred_element_type=F32)


def _tc_final_body(acc_ref, m_ref, hin_ref, dinv_ref, bg_ref, gam_ref,
                   bet_ref, wout_ref, bout_ref, out_ref, sum_scr):
    i = pl.program_id(0)
    a = acc_ref[...]
    dinv = dinv_ref[...]
    conv = dinv * (a[0] + a[1] + m_ref[...]) + bg_ref[...]
    h = jnp.maximum(_ln(conv, gam_ref[...], bet_ref[...]), 0.0) + hin_ref[...]
    rows = lax.broadcasted_iota(jnp.int32, (BN, 1), 0) + i * BN
    h = jnp.where(rows < N, h, 0.0)

    @pl.when(i == 0)
    def _():
        sum_scr[...] = jnp.zeros_like(sum_scr)

    sum_scr[...] += jnp.sum(h, axis=0, keepdims=True)

    @pl.when(i == G - 1)
    def _():
        out_ref[...] = (jnp.dot(sum_scr[...] * (1.0 / N), wout_ref[...],
                                preferred_element_type=F32) + bout_ref[...])


def _row_spec(width):
    return pl.BlockSpec((BN, width), lambda i: (i, 0))


def _full_spec(shape):
    nd = len(shape)
    return pl.BlockSpec(shape, lambda i, _nd=nd: (0,) * _nd)


_tc_embed = pl.pallas_call(
    _tc_embed_body,
    grid=(G,),
    in_specs=[
        _row_spec(D),
        _row_spec(1),
        _full_spec((8, 32)),
        _full_spec((D + 32, D)),
        _full_spec((1, D)),
        pl.BlockSpec((NC, BN, 16), lambda i: (0, i, 0)),
        _full_spec((D, D)),
    ],
    out_specs=[_row_spec(D), _row_spec(D), _row_spec(1)],
    out_shape=[
        jax.ShapeDtypeStruct((NP, D), F32),
        jax.ShapeDtypeStruct((NP, D), F32),
        jax.ShapeDtypeStruct((NP, 1), F32),
    ],
)

_ACC_SPEC = pl.BlockSpec((NC, BN, D), lambda i: (0, i, 0))

_tc_mid = pl.pallas_call(
    _tc_mid_body,
    grid=(G,),
    in_specs=[
        _ACC_SPEC,
        _row_spec(D),
        _row_spec(D),
        _row_spec(1),
        _full_spec((1, D)),
        _full_spec((1, D)),
        _full_spec((1, D)),
        _full_spec((D, D)),
    ],
    out_specs=[_row_spec(D), _row_spec(D)],
    out_shape=[
        jax.ShapeDtypeStruct((NP, D), F32),
        jax.ShapeDtypeStruct((NP, D), F32),
    ],
)

_tc_final = pl.pallas_call(
    _tc_final_body,
    grid=(G,),
    in_specs=[
        _ACC_SPEC,
        _row_spec(D),
        _row_spec(D),
        _row_spec(1),
        _full_spec((1, D)),
        _full_spec((1, D)),
        _full_spec((1, D)),
        _full_spec((D, D)),
        _full_spec((1, D)),
    ],
    out_specs=pl.BlockSpec((1, D), lambda i: (0, 0)),
    out_shape=jax.ShapeDtypeStruct((1, D), F32),
    scratch_shapes=[pltpu.VMEM((1, D), F32)],
)



def kernel(x, edge_index, node_types, emb, W_in, b_in, Wg1, bg1, g1, be1,
           Wg2, bg2, g2, be2, W_out, b_out):
    src = edge_index[0].astype(jnp.int32)
    dst = edge_index[1].astype(jnp.int32)
    fill = N + (jnp.arange(EP - E, dtype=jnp.int32) % (NP - N))
    src_p = jnp.concatenate([src, fill]).reshape(NW, K, CH)
    dst_p = jnp.concatenate([dst, fill]).reshape(NW, K, CH)
    x_p = jnp.pad(x, ((0, NP - N), (0, 0)))
    nt_p = jnp.pad(node_types.astype(jnp.int32), (0, NP - N)).reshape(NP, 1)
    emb_p = jnp.pad(emb, ((0, 8 - emb.shape[0]), (0, 0)))
    ones16 = jnp.ones((CH, 16), F32)
    zeros16 = jnp.zeros((RPT, 16), F32)
    zerosD = jnp.zeros((RPT, D), F32)

    sc_degree, sc_scatter = _sc_kernels()
    cnt = sc_degree(dst_p, ones16, zeros16)
    h0, m1, dinv = _tc_embed(x_p, nt_p, emb_p, W_in, b_in.reshape(1, D),
                             cnt, Wg1)
    acc1 = sc_scatter(m1, src_p, dst_p, zerosD)
    h1, m2 = _tc_mid(acc1, m1, h0, dinv, bg1.reshape(1, D),
                     g1.reshape(1, D), be1.reshape(1, D), Wg2)
    acc2 = sc_scatter(m2, src_p, dst_p, zerosD)
    out = _tc_final(acc2, m2, h1, dinv, bg2.reshape(1, D),
                    g2.reshape(1, D), be2.reshape(1, D),
                    W_out, b_out.reshape(1, D))
    return out

# --- scband reference (transcript-rebuilt; emitter-appended) ---
"""Pipeline reference for scband-graph-neural-network-29918742184185 (READ-ONLY COPY).

The authoritative reference and input builder live on the scoring server;
editing this copy changes nothing except your own understanding.
"""

import jax, jax.numpy as jnp
import numpy as np

N = 10000
E = 320000
D = 128
NT = 3
EMB = D // 4  # 32
HID = 128
OUT = 128
EMBD = D + EMB  # 160


def setup_inputs(seed: int = 0) -> dict:
    key = jax.random.key(seed)
    ks = jax.random.split(key, 20)
    s = 0.05
    inp = {}
    inp['x'] = jax.random.normal(ks[0], (N, D), dtype=jnp.float32)
    inp['edge_index'] = jax.random.randint(ks[1], (2, E), 0, N)
    inp['node_types'] = jax.random.randint(ks[2], (N,), 0, NT)
    # parameters
    inp['emb'] = jax.random.normal(ks[3], (NT, EMB), dtype=jnp.float32) * s
    inp['W_in'] = jax.random.normal(ks[4], (EMBD, HID), dtype=jnp.float32) * s
    inp['b_in'] = jnp.zeros((HID,), dtype=jnp.float32)
    inp['Wg1'] = jax.random.normal(ks[5], (HID, HID), dtype=jnp.float32) * s
    inp['bg1'] = jnp.zeros((HID,), dtype=jnp.float32)
    inp['g1'] = jnp.ones((HID,), dtype=jnp.float32)
    inp['be1'] = jnp.zeros((HID,), dtype=jnp.float32)
    inp['Wg2'] = jax.random.normal(ks[6], (HID, HID), dtype=jnp.float32) * s
    inp['bg2'] = jnp.zeros((HID,), dtype=jnp.float32)
    inp['g2'] = jnp.ones((HID,), dtype=jnp.float32)
    inp['be2'] = jnp.zeros((HID,), dtype=jnp.float32)
    inp['W_out'] = jax.random.normal(ks[7], (HID, OUT), dtype=jnp.float32) * s
    inp['b_out'] = jnp.zeros((OUT,), dtype=jnp.float32)
    return inp


def _layer_norm(h, gamma, beta, eps=1e-5):
    mu = jnp.mean(h, axis=-1, keepdims=True)
    var = jnp.mean((h - mu) ** 2, axis=-1, keepdims=True)
    return (h - mu) / jnp.sqrt(var + eps) * gamma + beta


def _gcn_conv(x, edge_index, W, b):
    # GCNConv with normalize=True, add_self_loops=True (PyG defaults)
    n = x.shape[0]
    src = edge_index[0]
    dst = edge_index[1]
    loop = jnp.arange(n)
    src2 = jnp.concatenate([src, loop])
    dst2 = jnp.concatenate([dst, loop])
    ew = jnp.ones(src2.shape[0], dtype=x.dtype)
    deg = jnp.zeros((n,), dtype=x.dtype).at[dst2].add(ew)
    dinv = jnp.where(deg > 0, 1.0 / jnp.sqrt(deg), 0.0)
    norm = dinv[src2] * dinv[dst2]
    h = x @ W
    msg = h[src2] * norm[:, None]
    out = jnp.zeros((n, W.shape[1]), dtype=x.dtype).at[dst2].add(msg)
    return out + b


def _gcl(x, edge_index, Wg, bg, gamma, beta):
    residual = x
    h = _gcn_conv(x, edge_index, Wg, bg)
    h = _layer_norm(h, gamma, beta)
    h = jax.nn.relu(h)
    # in/out channels equal -> no residual projection; dropout in eval = identity
    return h + residual


def reference(x, edge_index, node_types, emb, W_in, b_in, Wg1, bg1, g1, be1, Wg2, bg2, g2, be2, W_out, b_out):
    te = emb[node_types]
    h = jnp.concatenate([x, te], axis=-1)
    h = jax.nn.relu(h @ W_in + b_in)
    h = _gcl(h, edge_index, Wg1, bg1, g1, be1)
    h = _gcl(h, edge_index, Wg2, bg2, g2, be2)
    node_features = h @ W_out + b_out
    graph_features = jnp.mean(node_features, axis=0, keepdims=True)
    return graph_features

if __name__ == "__main__":
    import jax
    _d = setup_inputs()
    print(jax.jit(kernel)(*tuple(_d.values())))

</pallas_src>

<mosaic_0001>
#map = affine_map<(d0, d1) -> (0, 0, 0)>
#map1 = affine_map<(d0, d1) -> (0, 0)>
module attributes {stable_mosaic.version = 14 : i64} {
  func.func @_sc_degree_body(%arg0: i32, %arg1: i32, %arg2: memref<32x80x128xi32, #tpu.memory_space<hbm>>, %arg3: memref<128x16xf32, #tpu.memory_space<hbm>>, %arg4: memref<640x16xf32, #tpu.memory_space<hbm>>, %arg5: memref<2x10240x16xf32, #tpu.memory_space<hbm>>, %arg6: memref<80x128xi32, #tpu.memory_space<vmem>>, %arg7: memref<128x16xf32, #tpu.memory_space<vmem>>, %arg8: memref<10240x16xf32, #tpu.memory_space<vmem_shared>>, %arg9: memref<!tpu.dma_semaphore, #tpu.memory_space<semaphore_mem>>) attributes {dimension_semantics = [#tpu.dimension_semantics<core_parallel>, #tpu.dimension_semantics<subcore_parallel>], iteration_bounds = array<i64: 2, 16>, scalar_prefetch = 0 : i64, scratch_operands = 4 : i64, tpu.core_type = #tpu.core_type<sc_vector_subcore>, window_params = [{transform_indices = #map}, {transform_indices = #map1}, {transform_indices = #map1}, {transform_indices = #map}]} {
    %mul3A = arith.constant 2 : i32
    %mul3A_0 = arith.muli %arg1, %mul3A : i32
    %add3A = arith.addi %mul3A_0, %arg0 : i32
    %mul3A_1 = arith.constant 640 : i32
    %mul3A_2 = arith.muli %arg1, %mul3A_1 : i32
    "tpu.region"() ({
      %run_scoped3A = tpu.sem_alloc : memref<!tpu.dma_semaphore, #tpu.memory_space<semaphore_mem>>
      %dma_start3A = arith.constant 0 : i32
      %dma_start3A_13 = tpu.memref_slice %arg8[%mul3A_2, %dma_start3A] : memref<10240x16xf32, #tpu.memory_space<vmem_shared>> -> memref<640x16xf32, #tpu.memory_space<vmem_shared>>
      tpu.enqueue_dma source(%arg4 : memref<640x16xf32, #tpu.memory_space<hbm>>) target(%dma_start3A_13 : memref<640x16xf32, #tpu.memory_space<vmem_shared>>) target_semaphore(%run_scoped3A : memref<!tpu.dma_semaphore, #tpu.memory_space<semaphore_mem>>)
      %dma_wait3A = arith.constant 0 : i32
      %dma_wait3A_14 = tpu.memref_slice %arg8[%mul3A_2, %dma_wait3A] : memref<10240x16xf32, #tpu.memory_space<vmem_shared>> -> memref<640x16xf32, #tpu.memory_space<vmem_shared>>
      tpu.wait_dma2 semaphore(%run_scoped3A : memref<!tpu.dma_semaphore, #tpu.memory_space<semaphore_mem>>) src(%arg4 : memref<640x16xf32, #tpu.memory_space<hbm>>) dst(%dma_wait3A_14 : memref<640x16xf32, #tpu.memory_space<vmem_shared>>)
      tpu.yield
    }) : () -> ()
    "tpu.region"() ({
      %run_scoped3A = tpu.sem_alloc : memref<!tpu.dma_semaphore, #tpu.memory_space<semaphore_mem>>
      tpu.enqueue_dma source(%arg3 : memref<128x16xf32, #tpu.memory_space<hbm>>) target(%arg7 : memref<128x16xf32, #tpu.memory_space<vmem>>) target_semaphore(%run_scoped3A : memref<!tpu.dma_semaphore, #tpu.memory_space<semaphore_mem>>)
      tpu.wait_dma2 semaphore(%run_scoped3A : memref<!tpu.dma_semaphore, #tpu.memory_space<semaphore_mem>>) src(%arg3 : memref<128x16xf32, #tpu.memory_space<hbm>>) dst(%arg7 : memref<128x16xf32, #tpu.memory_space<vmem>>)
      tpu.yield
    }) : () -> ()
    "tpu.region"() ({
      %run_scoped3A = tpu.sem_alloc : memref<!tpu.dma_semaphore, #tpu.memory_space<semaphore_mem>>
      %dma_start3A = arith.constant 0 : i32
      %dma_start3A_13 = arith.constant 0 : i32
      %dma_start3A_14 = tpu.memref_slice %arg2[%add3A, %dma_start3A, %dma_start3A_13] : memref<32x80x128xi32, #tpu.memory_space<hbm>> -> memref<1x80x128xi32, #tpu.memory_space<hbm>>
      %dma_start3A_15 = tpu.memref_squeeze %dma_start3A_14 : memref<1x80x128xi32, #tpu.memory_space<hbm>> -> memref<80x128xi32, #tpu.memory_space<hbm>>
      %dma_start3A_16 = arith.constant 0 : i32
      %dma_start3A_17 = arith.constant 0 : i32
      %dma_start3A_18 = tpu.memref_slice %arg2[%add3A, %dma_start3A_16, %dma_start3A_17] : memref<32x80x128xi32, #tpu.memory_space<hbm>> -> memref<1x80x128xi32, #tpu.memory_space<hbm>>
      %dma_start3A_19 = tpu.memref_squeeze %dma_start3A_18 : memref<1x80x128xi32, #tpu.memory_space<hbm>> -> memref<80x128xi32, #tpu.memory_space<hbm>>
      tpu.enqueue_dma source(%dma_start3A_19 : memref<80x128xi32, #tpu.memory_space<hbm>>) target(%arg6 : memref<80x128xi32, #tpu.memory_space<vmem>>) target_semaphore(%run_scoped3A : memref<!tpu.dma_semaphore, #tpu.memory_space<semaphore_mem>>)
      %dma_wait3A = arith.constant 0 : i32
      %dma_wait3A_20 = arith.constant 0 : i32
      %dma_wait3A_21 = tpu.memref_slice %arg2[%add3A, %dma_wait3A, %dma_wait3A_20] : memref<32x80x128xi32, #tpu.memory_space<hbm>> -> memref<1x80x128xi32, #tpu.memory_space<hbm>>
      %dma_wait3A_22 = tpu.memref_squeeze %dma_wait3A_21 : memref<1x80x128xi32, #tpu.memory_space<hbm>> -> memref<80x128xi32, #tpu.memory_space<hbm>>
      %dma_wait3A_23 = arith.constant 0 : i32
      %dma_wait3A_24 = arith.constant 0 : i32
      %dma_wait3A_25 = tpu.memref_slice %arg2[%add3A, %dma_wait3A_23, %dma_wait3A_24] : memref<32x80x128xi32, #tpu.memory_space<hbm>> -> memref<1x80x128xi32, #tpu.memory_space<hbm>>
      %dma_wait3A_26 = tpu.memref_squeeze %dma_wait3A_25 : memref<1x80x128xi32, #tpu.memory_space<hbm>> -> memref<80x128xi32, #tpu.memory_space<hbm>>
      tpu.wait_dma2 semaphore(%run_scoped3A : memref<!tpu.dma_semaphore, #tpu.memory_space<semaphore_mem>>) src(%dma_wait3A_26 : memref<80x128xi32, #tpu.memory_space<hbm>>) dst(%arg6 : memref<80x128xi32, #tpu.memory_space<vmem>>)
      tpu.yield
    }) : () -> ()
    %barrier3A = arith.constant 0 : index
    tpu.barrier barrier_id(%barrier3A)
    %scan3A = arith.constant 0 : i32
    %scan3A_3 = arith.constant 0 : i32
    %scan3A_4 = arith.constant 10 : i32
    %scan3A_5 = arith.addi %scan3A_3, %scan3A_4 : i32
    %scan3A_6 = arith.constant 1 : i32
    scf.for %scan3A_13 = %scan3A_3 to %scan3A_5 step %scan3A_6  : i32 {
      %mul3A_14 = arith.constant 8 : i32
      %mul3A_15 = arith.muli %scan3A_13, %mul3A_14 : i32
      %add3A_16 = arith.constant 0 : i32
      %add3A_17 = arith.addi %mul3A_15, %add3A_16 : i32
      %dma_start3A = arith.constant 0 : i32
      %dma_start3A_18 = tpu.memref_slice %arg6[%add3A_17, %dma_start3A] : memref<80x128xi32, #tpu.memory_space<vmem>> -> memref<1x128xi32, #tpu.memory_space<vmem>>
      %dma_start3A_19 = tpu.memref_squeeze %dma_start3A_18 : memref<1x128xi32, #tpu.memory_space<vmem>> -> memref<128xi32, #tpu.memory_space<vmem>>
      %dma_start3A_20 = arith.constant 0 : i32
      %dma_start3A_21 = arith.constant 0 : i32
      %dma_start3A_22 = tpu.memref_slice %arg8[%dma_start3A_20, %dma_start3A_21] : memref<10240x16xf32, #tpu.memory_space<vmem_shared>> -> memref<10240x16xf32, #tpu.memory_space<vmem_shared>>
      tpu.enqueue_indirect_dma source(%arg7 : memref<128x16xf32, #tpu.memory_space<vmem>>) target(%dma_start3A_22 : memref<10240x16xf32, #tpu.memory_space<vmem_shared>>) offsets(%dma_start3A_19 : memref<128xi32, #tpu.memory_space<vmem>>) semaphore(%arg9 : memref<!tpu.dma_semaphore, #tpu.memory_space<semaphore_mem>>) {add = true}
      %mul3A_23 = arith.constant 8 : i32
      %mul3A_24 = arith.muli %scan3A_13, %mul3A_23 : i32
      %add3A_25 = arith.constant 1 : i32
      %add3A_26 = arith.addi %mul3A_24, %add3A_25 : i32
      %dma_start3A_27 = arith.constant 0 : i32
      %dma_start3A_28 = tpu.memref_slice %arg6[%add3A_26, %dma_start3A_27] : memref<80x128xi32, #tpu.memory_space<vmem>> -> memref<1x128xi32, #tpu.memory_space<vmem>>
      %dma_start3A_29 = tpu.memref_squeeze %dma_start3A_28 : memref<1x128xi32, #tpu.memory_space<vmem>> -> memref<128xi32, #tpu.memory_space<vmem>>
      %dma_start3A_30 = arith.constant 0 : i32
      %dma_start3A_31 = arith.constant 0 : i32
      %dma_start3A_32 = tpu.memref_slice %arg8[%dma_start3A_30, %dma_start3A_31] : memref<10240x16xf32, #tpu.memory_space<vmem_shared>> -> memref<10240x16xf32, #tpu.memory_space<vmem_shared>>
      tpu.enqueue_indirect_dma source(%arg7 : memref<128x16xf32, #tpu.memory_space<vmem>>) target(%dma_start3A_32 : memref<10240x16xf32, #tpu.memory_space<vmem_shared>>) offsets(%dma_start3A_29 : memref<128xi32, #tpu.memory_space<vmem>>) semaphore(%arg9 : memref<!tpu.dma_semaphore, #tpu.memory_space<semaphore_mem>>) {add = true}
      %mul3A_33 = arith.constant 8 : i32
      %mul3A_34 = arith.muli %scan3A_13, %mul3A_33 : i32
      %add3A_35 = arith.constant 2 : i32
      %add3A_36 = arith.addi %mul3A_34, %add3A_35 : i32
      %dma_start3A_37 = arith.constant 0 : i32
      %dma_start3A_38 = tpu.memref_slice %arg6[%add3A_36, %dma_start3A_37] : memref<80x128xi32, #tpu.memory_space<vmem>> -> memref<1x128xi32, #tpu.memory_space<vmem>>
      %dma_start3A_39 = tpu.memref_squeeze %dma_start3A_38 : memref<1x128xi32, #tpu.memory_space<vmem>> -> memref<128xi32, #tpu.memory_space<vmem>>
      %dma_start3A_40 = arith.constant 0 : i32
      %dma_start3A_41 = arith.constant 0 : i32
      %dma_start3A_42 = tpu.memref_slice %arg8[%dma_start3A_40, %dma_start3A_41] : memref<10240x16xf32, #tpu.memory_space<vmem_shared>> -> memref<10240x16xf32, #tpu.memory_space<vmem_shared>>
      tpu.enqueue_indirect_dma source(%arg7 : memref<128x16xf32, #tpu.memory_space<vmem>>) target(%dma_start3A_42 : memref<10240x16xf32, #tpu.memory_space<vmem_shared>>) offsets(%dma_start3A_39 : memref<128xi32, #tpu.memory_space<vmem>>) semaphore(%arg9 : memref<!tpu.dma_semaphore, #tpu.memory_space<semaphore_mem>>) {add = true}
      %mul3A_43 = arith.constant 8 : i32
      %mul3A_44 = arith.muli %scan3A_13, %mul3A_43 : i32
      %add3A_45 = arith.constant 3 : i32
      %add3A_46 = arith.addi %mul3A_44, %add3A_45 : i32
      %dma_start3A_47 = arith.constant 0 : i32
      %dma_start3A_48 = tpu.memref_slice %arg6[%add3A_46, %dma_start3A_47] : memref<80x128xi32, #tpu.memory_space<vmem>> -> memref<1x128xi32, #tpu.memory_space<vmem>>
      %dma_start3A_49 = tpu.memref_squeeze %dma_start3A_48 : memref<1x128xi32, #tpu.memory_space<vmem>> -> memref<128xi32, #tpu.memory_space<vmem>>
      %dma_start3A_50 = arith.constant 0 : i32
      %dma_start3A_51 = arith.constant 0 : i32
      %dma_start3A_52 = tpu.memref_slice %arg8[%dma_start3A_50, %dma_start3A_51] : memref<10240x16xf32, #tpu.memory_space<vmem_shared>> -> memref<10240x16xf32, #tpu.memory_space<vmem_shared>>
      tpu.enqueue_indirect_dma source(%arg7 : memref<128x16xf32, #tpu.memory_space<vmem>>) target(%dma_start3A_52 : memref<10240x16xf32, #tpu.memory_space<vmem_shared>>) offsets(%dma_start3A_49 : memref<128xi32, #tpu.memory_space<vmem>>) semaphore(%arg9 : memref<!tpu.dma_semaphore, #tpu.memory_space<semaphore_mem>>) {add = true}
      %mul3A_53 = arith.constant 8 : i32
      %mul3A_54 = arith.muli %scan3A_13, %mul3A_53 : i32
      %add3A_55 = arith.constant 4 : i32
      %add3A_56 = arith.addi %mul3A_54, %add3A_55 : i32
      %dma_start3A_57 = arith.constant 0 : i32
      %dma_start3A_58 = tpu.memref_slice %arg6[%add3A_56, %dma_start3A_57] : memref<80x128xi32, #tpu.memory_space<vmem>> -> memref<1x128xi32, #tpu.memory_space<vmem>>
      %dma_start3A_59 = tpu.memref_squeeze %dma_start3A_58 : memref<1x128xi32, #tpu.memory_space<vmem>> -> memref<128xi32, #tpu.memory_space<vmem>>
      %dma_start3A_60 = arith.constant 0 : i32
      %dma_start3A_61 = arith.constant 0 : i32
      %dma_start3A_62 = tpu.memref_slice %arg8[%dma_start3A_60, %dma_start3A_61] : memref<10240x16xf32, #tpu.memory_space<vmem_shared>> -> memref<10240x16xf32, #tpu.memory_space<vmem_shared>>
      tpu.enqueue_indirect_dma source(%arg7 : memref<128x16xf32, #tpu.memory_space<vmem>>) target(%dma_start3A_62 : memref<10240x16xf32, #tpu.memory_space<vmem_shared>>) offsets(%dma_start3A_59 : memref<128xi32, #tpu.memory_space<vmem>>) semaphore(%arg9 : memref<!tpu.dma_semaphore, #tpu.memory_space<semaphore_mem>>) {add = true}
      %mul3A_63 = arith.constant 8 : i32
      %mul3A_64 = arith.muli %scan3A_13, %mul3A_63 : i32
      %add3A_65 = arith.constant 5 : i32
      %add3A_66 = arith.addi %mul3A_64, %add3A_65 : i32
      %dma_start3A_67 = arith.constant 0 : i32
      %dma_start3A_68 = tpu.memref_slice %arg6[%add3A_66, %dma_start3A_67] : memref<80x128xi32, #tpu.memory_space<vmem>> -> memref<1x128xi32, #tpu.memory_space<vmem>>
      %dma_start3A_69 = tpu.memref_squeeze %dma_start3A_68 : memref<1x128xi32, #tpu.memory_space<vmem>> -> memref<128xi32, #tpu.memory_space<vmem>>
      %dma_start3A_70 = arith.constant 0 : i32
      %dma_start3A_71 = arith.constant 0 : i32
      %dma_start3A_72 = tpu.memref_slice %arg8[%dma_start3A_70, %dma_start3A_71] : memref<10240x16xf32, #tpu.memory_space<vmem_shared>> -> memref<10240x16xf32, #tpu.memory_space<vmem_shared>>
      tpu.enqueue_indirect_dma source(%arg7 : memref<128x16xf32, #tpu.memory_space<vmem>>) target(%dma_start3A_72 : memref<10240x16xf32, #tpu.memory_space<vmem_shared>>) offsets(%dma_start3A_69 : memref<128xi32, #tpu.memory_space<vmem>>) semaphore(%arg9 : memref<!tpu.dma_semaphore, #tpu.memory_space<semaphore_mem>>) {add = true}
      %mul3A_73 = arith.constant 8 : i32
      %mul3A_74 = arith.muli %scan3A_13, %mul3A_73 : i32
      %add3A_75 = arith.constant 6 : i32
      %add3A_76 = arith.addi %mul3A_74, %add3A_75 : i32
      %dma_start3A_77 = arith.constant 0 : i32
      %dma_start3A_78 = tpu.memref_slice %arg6[%add3A_76, %dma_start3A_77] : memref<80x128xi32, #tpu.memory_space<vmem>> -> memref<1x128xi32, #tpu.memory_space<vmem>>
      %dma_start3A_79 = tpu.memref_squeeze %dma_start3A_78 : memref<1x128xi32, #tpu.memory_space<vmem>> -> memref<128xi32, #tpu.memory_space<vmem>>
      %dma_start3A_80 = arith.constant 0 : i32
      %dma_start3A_81 = arith.constant 0 : i32
      %dma_start3A_82 = tpu.memref_slice %arg8[%dma_start3A_80, %dma_start3A_81] : memref<10240x16xf32, #tpu.memory_space<vmem_shared>> -> memref<10240x16xf32, #tpu.memory_space<vmem_shared>>
      tpu.enqueue_indirect_dma source(%arg7 : memref<128x16xf32, #tpu.memory_space<vmem>>) target(%dma_start3A_82 : memref<10240x16xf32, #tpu.memory_space<vmem_shared>>) offsets(%dma_start3A_79 : memref<128xi32, #tpu.memory_space<vmem>>) semaphore(%arg9 : memref<!tpu.dma_semaphore, #tpu.memory_space<semaphore_mem>>) {add = true}
      %mul3A_83 = arith.constant 8 : i32
      %mul3A_84 = arith.muli %scan3A_13, %mul3A_83 : i32
      %add3A_85 = arith.constant 7 : i32
      %add3A_86 = arith.addi %mul3A_84, %add3A_85 : i32
      %dma_start3A_87 = arith.constant 0 : i32
      %dma_start3A_88 = tpu.memref_slice %arg6[%add3A_86, %dma_start3A_87] : memref<80x128xi32, #tpu.memory_space<vmem>> -> memref<1x128xi32, #tpu.memory_space<vmem>>
      %dma_start3A_89 = tpu.memref_squeeze %dma_start3A_88 : memref<1x128xi32, #tpu.memory_space<vmem>> -> memref<128xi32, #tpu.memory_space<vmem>>
      %dma_start3A_90 = arith.constant 0 : i32
      %dma_start3A_91 = arith.constant 0 : i32
      %dma_start3A_92 = tpu.memref_slice %arg8[%dma_start3A_90, %dma_start3A_91] : memref<10240x16xf32, #tpu.memory_space<vmem_shared>> -> memref<10240x16xf32, #tpu.memory_space<vmem_shared>>
      tpu.enqueue_indirect_dma source(%arg7 : memref<128x16xf32, #tpu.memory_space<vmem>>) target(%dma_start3A_92 : memref<10240x16xf32, #tpu.memory_space<vmem_shared>>) offsets(%dma_start3A_89 : memref<128xi32, #tpu.memory_space<vmem>>) semaphore(%arg9 : memref<!tpu.dma_semaphore, #tpu.memory_space<semaphore_mem>>) {add = true}
      %mul3A_93 = arith.constant 8 : i32
      %mul3A_94 = arith.muli %scan3A_13, %mul3A_93 : i32
      %add3A_95 = arith.constant 0 : i32
      %add3A_96 = arith.addi %mul3A_94, %add3A_95 : i32
      %dma_wait3A = arith.constant 0 : i32
      %dma_wait3A_97 = tpu.memref_slice %arg6[%add3A_96, %dma_wait3A] : memref<80x128xi32, #tpu.memory_space<vmem>> -> memref<1x128xi32, #tpu.memory_space<vmem>>
      %dma_wait3A_98 = tpu.memref_squeeze %dma_wait3A_97 : memref<1x128xi32, #tpu.memory_space<vmem>> -> memref<128xi32, #tpu.memory_space<vmem>>
      %dma_wait3A_99 = arith.constant 0 : i32
      %dma_wait3A_100 = arith.constant 0 : i32
      %dma_wait3A_101 = tpu.memref_slice %arg8[%dma_wait3A_99, %dma_wait3A_100] : memref<10240x16xf32, #tpu.memory_space<vmem_shared>> -> memref<10240x16xf32, #tpu.memory_space<vmem_shared>>
      tpu.wait_indirect_dma semaphore(%arg9 : memref<!tpu.dma_semaphore, #tpu.memory_space<semaphore_mem>>) src(%arg7 : memref<128x16xf32, #tpu.memory_space<vmem>>) dst(%dma_wait3A_101 : memref<10240x16xf32, #tpu.memory_space<vmem_shared>>)
      %mul3A_102 = arith.constant 8 : i32
      %mul3A_103 = arith.muli %scan3A_13, %mul3A_102 : i32
      %add3A_104 = arith.constant 1 : i32
      %add3A_105 = arith.addi %mul3A_103, %add3A_104 : i32
      %dma_wait3A_106 = arith.constant 0 : i32
      %dma_wait3A_107 = tpu.memref_slice %arg6[%add3A_105, %dma_wait3A_106] : memref<80x128xi32, #tpu.memory_space<vmem>> -> memref<1x128xi32, #tpu.memory_space<vmem>>
      %dma_wait3A_108 = tpu.memref_squeeze %dma_wait3A_107 : memref<1x128xi32, #tpu.memory_space<vmem>> -> memref<128xi32, #tpu.memory_space<vmem>>
      %dma_wait3A_109 = arith.constant 0 : i32
      %dma_wait3A_110 = arith.constant 0 : i32
      %dma_wait3A_111 = tpu.memref_slice %arg8[%dma_wait3A_109, %dma_wait3A_110] : memref<10240x16xf32, #tpu.memory_space<vmem_shared>> -> memref<10240x16xf32, #tpu.memory_space<vmem_shared>>
      tpu.wait_indirect_dma semaphore(%arg9 : memref<!tpu.dma_semaphore, #tpu.memory_space<semaphore_mem>>) src(%arg7 : memref<128x16xf32, #tpu.memory_space<vmem>>) dst(%dma_wait3A_111 : memref<10240x16xf32, #tpu.memory_space<vmem_shared>>)
      %mul3A_112 = arith.constant 8 : i32
      %mul3A_113 = arith.muli %scan3A_13, %mul3A_112 : i32
      %add3A_114 = arith.constant 2 : i32
      %add3A_115 = arith.addi %mul3A_113, %add3A_114 : i32
      %dma_wait3A_116 = arith.constant 0 : i32
      %dma_wait3A_117 = tpu.memref_slice %arg6[%add3A_115, %dma_wait3A_116] : memref<80x128xi32, #tpu.memory_space<vmem>> -> memref<1x128xi32, #tpu.memory_space<vmem>>
      %dma_wait3A_118 = tpu.memref_squeeze %dma_wait3A_117 : memref<1x128xi32, #tpu.memory_space<vmem>> -> memref<128xi32, #tpu.memory_space<vmem>>
      %dma_wait3A_119 = arith.constant 0 : i32
      %dma_wait3A_120 = arith.constant 0 : i32
      %dma_wait3A_121 = tpu.memref_slice %arg8[%dma_wait3A_119, %dma_wait3A_120] : memref<10240x16xf32, #tpu.memory_space<vmem_shared>> -> memref<10240x16xf32, #tpu.memory_space<vmem_shared>>
      tpu.wait_indirect_dma semaphore(%arg9 : memref<!tpu.dma_semaphore, #tpu.memory_space<semaphore_mem>>) src(%arg7 : memref<128x16xf32, #tpu.memory_space<vmem>>) dst(%dma_wait3A_121 : memref<10240x16xf32, #tpu.memory_space<vmem_shared>>)
      %mul3A_122 = arith.constant 8 : i32
      %mul3A_123 = arith.muli %scan3A_13, %mul3A_122 : i32
      %add3A_124 = arith.constant 3 : i32
      %add3A_125 = arith.addi %mul3A_123, %add3A_124 : i32
      %dma_wait3A_126 = arith.constant 0 : i32
      %dma_wait3A_127 = tpu.memref_slice %arg6[%add3A_125, %dma_wait3A_126] : memref<80x128xi32, #tpu.memory_space<vmem>> -> memref<1x128xi32, #tpu.memory_space<vmem>>
      %dma_wait3A_128 = tpu.memref_squeeze %dma_wait3A_127 : memref<1x128xi32, #tpu.memory_space<vmem>> -> memref<128xi32, #tpu.memory_space<vmem>>
      %dma_wait3A_129 = arith.constant 0 : i32
      %dma_wait3A_130 = arith.constant 0 : i32
      %dma_wait3A_131 = tpu.memref_slice %arg8[%dma_wait3A_129, %dma_wait3A_130] : memref<10240x16xf32, #tpu.memory_space<vmem_shared>> -> memref<10240x16xf32, #tpu.memory_space<vmem_shared>>
      tpu.wait_indirect_dma semaphore(%arg9 : memref<!tpu.dma_semaphore, #tpu.memory_space<semaphore_mem>>) src(%arg7 : memref<128x16xf32, #tpu.memory_space<vmem>>) dst(%dma_wait3A_131 : memref<10240x16xf32, #tpu.memory_space<vmem_shared>>)
      %mul3A_132 = arith.constant 8 : i32
      %mul3A_133 = arith.muli %scan3A_13, %mul3A_132 : i32
      %add3A_134 = arith.constant 4 : i32
      %add3A_135 = arith.addi %mul3A_133, %add3A_134 : i32
      %dma_wait3A_136 = arith.constant 0 : i32
      %dma_wait3A_137 = tpu.memref_slice %arg6[%add3A_135, %dma_wait3A_136] : memref<80x128xi32, #tpu.memory_space<vmem>> -> memref<1x128xi32, #tpu.memory_space<vmem>>
      %dma_wait3A_138 = tpu.memref_squeeze %dma_wait3A_137 : memref<1x128xi32, #tpu.memory_space<vmem>> -> memref<128xi32, #tpu.memory_space<vmem>>
      %dma_wait3A_139 = arith.constant 0 : i32
      %dma_wait3A_140 = arith.constant 0 : i32
      %dma_wait3A_141 = tpu.memref_slice %arg8[%dma_wait3A_139, %dma_wait3A_140] : memref<10240x16xf32, #tpu.memory_space<vmem_shared>> -> memref<10240x16xf32, #tpu.memory_space<vmem_shared>>
      tpu.wait_indirect_dma semaphore(%arg9 : memref<!tpu.dma_semaphore, #tpu.memory_space<semaphore_mem>>) src(%arg7 : memref<128x16xf32, #tpu.memory_space<vmem>>) dst(%dma_wait3A_141 : memref<10240x16xf32, #tpu.memory_space<vmem_shared>>)
      %mul3A_142 = arith.constant 8 : i32
      %mul3A_143 = arith.muli %scan3A_13, %mul3A_142 : i32
      %add3A_144 = arith.constant 5 : i32
      %add3A_145 = arith.addi %mul3A_143, %add3A_144 : i32
      %dma_wait3A_146 = arith.constant 0 : i32
      %dma_wait3A_147 = tpu.memref_slice %arg6[%add3A_145, %dma_wait3A_146] : memref<80x128xi32, #tpu.memory_space<vmem>> -> memref<1x128xi32, #tpu.memory_space<vmem>>
      %dma_wait3A_148 = tpu.memref_squeeze %dma_wait3A_147 : memref<1x128xi32, #tpu.memory_space<vmem>> -> memref<128xi32, #tpu.memory_space<vmem>>
      %dma_wait3A_149 = arith.constant 0 : i32
      %dma_wait3A_150 = arith.constant 0 : i32
      %dma_wait3A_151 = tpu.memref_slice %arg8[%dma_wait3A_149, %dma_wait3A_150] : memref<10240x16xf32, #tpu.memory_space<vmem_shared>> -> memref<10240x16xf32, #tpu.memory_space<vmem_shared>>
      tpu.wait_indirect_dma semaphore(%arg9 : memref<!tpu.dma_semaphore, #tpu.memory_space<semaphore_mem>>) src(%arg7 : memref<128x16xf32, #tpu.memory_space<vmem>>) dst(%dma_wait3A_151 : memref<10240x16xf32, #tpu.memory_space<vmem_shared>>)
      %mul3A_152 = arith.constant 8 : i32
      %mul3A_153 = arith.muli %scan3A_13, %mul3A_152 : i32
      %add3A_154 = arith.constant 6 : i32
      %add3A_155 = arith.addi %mul3A_153, %add3A_154 : i32
      %dma_wait3A_156 = arith.constant 0 : i32
      %dma_wait3A_157 = tpu.memref_slice %arg6[%add3A_155, %dma_wait3A_156] : memref<80x128xi32, #tpu.memory_space<vmem>> -> memref<1x128xi32, #tpu.memory_space<vmem>>
      %dma_wait3A_158 = tpu.memref_squeeze %dma_wait3A_157 : memref<1x128xi32, #tpu.memory_space<vmem>> -> memref<128xi32, #tpu.memory_space<vmem>>
      %dma_wait3A_159 = arith.constant 0 : i32
      %dma_wait3A_160 = arith.constant 0 : i32
      %dma_wait3A_161 = tpu.memref_slice %arg8[%dma_wait3A_159, %dma_wait3A_160] : memref<10240x16xf32, #tpu.memory_space<vmem_shared>> -> memref<10240x16xf32, #tpu.memory_space<vmem_shared>>
      tpu.wait_indirect_dma semaphore(%arg9 : memref<!tpu.dma_semaphore, #tpu.memory_space<semaphore_mem>>) src(%arg7 : memref<128x16xf32, #tpu.memory_space<vmem>>) dst(%dma_wait3A_161 : memref<10240x16xf32, #tpu.memory_space<vmem_shared>>)
      %mul3A_162 = arith.constant 8 : i32
      %mul3A_163 = arith.muli %scan3A_13, %mul3A_162 : i32
      %add3A_164 = arith.constant 7 : i32
      %add3A_165 = arith.addi %mul3A_163, %add3A_164 : i32
      %dma_wait3A_166 = arith.constant 0 : i32
      %dma_wait3A_167 = tpu.memref_slice %arg6[%add3A_165, %dma_wait3A_166] : memref<80x128xi32, #tpu.memory_space<vmem>> -> memref<1x128xi32, #tpu.memory_space<vmem>>
      %dma_wait3A_168 = tpu.memref_squeeze %dma_wait3A_167 : memref<1x128xi32, #tpu.memory_space<vmem>> -> memref<128xi32, #tpu.memory_space<vmem>>
      %dma_wait3A_169 = arith.constant 0 : i32
      %dma_wait3A_170 = arith.constant 0 : i32
      %dma_wait3A_171 = tpu.memref_slice %arg8[%dma_wait3A_169, %dma_wait3A_170] : memref<10240x16xf32, #tpu.memory_space<vmem_shared>> -> memref<10240x16xf32, #tpu.memory_space<vmem_shared>>
      tpu.wait_indirect_dma semaphore(%arg9 : memref<!tpu.dma_semaphore, #tpu.memory_space<semaphore_mem>>) src(%arg7 : memref<128x16xf32, #tpu.memory_space<vmem>>) dst(%dma_wait3A_171 : memref<10240x16xf32, #tpu.memory_space<vmem_shared>>)
    }
    %scan3A_7 = arith.constant 10 : i32
    %barrier3A_8 = arith.constant 0 : index
    tpu.barrier barrier_id(%barrier3A_8)
    %mul3A_9 = arith.constant 640 : i32
    %mul3A_10 = arith.muli %arg1, %mul3A_9 : i32
    %mul3A_11 = arith.constant 640 : i32
    %mul3A_12 = arith.muli %arg1, %mul3A_11 : i32
    "tpu.region"() ({
      %run_scoped3A = tpu.sem_alloc : memref<!tpu.dma_semaphore, #tpu.memory_space<semaphore_mem>>
      %dma_start3A = arith.constant 0 : i32
      %dma_start3A_13 = tpu.memref_slice %arg5[%arg0, %mul3A_12, %dma_start3A] : memref<2x10240x16xf32, #tpu.memory_space<hbm>> -> memref<1x640x16xf32, #tpu.memory_space<hbm>>
      %dma_start3A_14 = tpu.memref_squeeze %dma_start3A_13 : memref<1x640x16xf32, #tpu.memory_space<hbm>> -> memref<640x16xf32, #tpu.memory_space<hbm>>
      %dma_start3A_15 = arith.constant 0 : i32
      %dma_start3A_16 = tpu.memref_slice %arg8[%mul3A_10, %dma_start3A_15] : memref<10240x16xf32, #tpu.memory_space<vmem_shared>> -> memref<640x16xf32, #tpu.memory_space<vmem_shared>>
      tpu.enqueue_dma source(%dma_start3A_16 : memref<640x16xf32, #tpu.memory_space<vmem_shared>>) target(%dma_start3A_14 : memref<640x16xf32, #tpu.memory_space<hbm>>) target_semaphore(%run_scoped3A : memref<!tpu.dma_semaphore, #tpu.memory_space<semaphore_mem>>)
      %dma_wait3A = arith.constant 0 : i32
      %dma_wait3A_17 = tpu.memref_slice %arg5[%arg0, %mul3A_12, %dma_wait3A] : memref<2x10240x16xf32, #tpu.memory_space<hbm>> -> memref<1x640x16xf32, #tpu.memory_space<hbm>>
      %dma_wait3A_18 = tpu.memref_squeeze %dma_wait3A_17 : memref<1x640x16xf32, #tpu.memory_space<hbm>> -> memref<640x16xf32, #tpu.memory_space<hbm>>
      %dma_wait3A_19 = arith.constant 0 : i32
      %dma_wait3A_20 = tpu.memref_slice %arg8[%mul3A_10, %dma_wait3A_19] : memref<10240x16xf32, #tpu.memory_space<vmem_shared>> -> memref<640x16xf32, #tpu.memory_space<vmem_shared>>
      tpu.wait_dma2 semaphore(%run_scoped3A : memref<!tpu.dma_semaphore, #tpu.memory_space<semaphore_mem>>) src(%dma_wait3A_20 : memref<640x16xf32, #tpu.memory_space<vmem_shared>>) dst(%dma_wait3A_18 : memref<640x16xf32, #tpu.memory_space<hbm>>)
      tpu.yield
    }) : () -> ()
    return
  }
}

#map = affine_map<(d0, d1) -> (0, 0)>
#map1 = affine_map<(d0, d1) -> (0, 0, 0)>
module attributes {stable_mosaic.version = 14 : i64} {
  func.func @_sc_scatter_body(%arg0: i32, %arg1: i32, %arg2: memref<10240x128xf32, #tpu.memory_space<hbm>>, %arg3: memref<32x80x128xi32, #tpu.memory_space<hbm>>, %arg4: memref<32x80x128xi32, #tpu.memory_space<hbm>>, %arg5: memref<640x128xf32, #tpu.memory_space<hbm>>, %arg6: memref<2x10240x128xf32, #tpu.memory_space<hbm>>, %arg7: memref<40x128xi32, #tpu.memory_space<vmem>>, %arg8: memref<40x128xi32, #tpu.memory_space<vmem>>, %arg9: memref<128x128xf32, #tpu.memory_space<vmem>>, %arg10: memref<128x128xf32, #tpu.memory_space<vmem>>, %arg11: memref<!tpu.dma_semaphore, #tpu.memory_space<semaphore_mem>>, %arg12: memref<!tpu.dma_semaphore, #tpu.memory_space<semaphore_mem>>, %arg13: memref<!tpu.dma_semaphore, #tpu.memory_space<semaphore_mem>>, %arg14: memref<!tpu.dma_semaphore, #tpu.memory_space<semaphore_mem>>, %arg15: memref<10240x128xf32, #tpu.memory_space<vmem_shared>>) attributes {dimension_semantics = [#tpu.dimension_semantics<core_parallel>, #tpu.dimension_semantics<subcore_parallel>], iteration_bounds = array<i64: 2, 16>, scalar_prefetch = 0 : i64, scratch_operands = 9 : i64, tpu.core_type = #tpu.core_type<sc_vector_subcore>, window_params = [{transform_indices = #map}, {transform_indices = #map1}, {transform_indices = #map1}, {transform_indices = #map}, {transform_indices = #map1}]} {
    %mul3A = arith.constant 2 : i32
    %mul3A_0 = arith.muli %arg1, %mul3A : i32
    %add3A = arith.addi %mul3A_0, %arg0 : i32
    %mul3A_1 = arith.constant 640 : i32
    %mul3A_2 = arith.muli %arg1, %mul3A_1 : i32
    "tpu.region"() ({
      %run_scoped3A = tpu.sem_alloc : memref<!tpu.dma_semaphore, #tpu.memory_space<semaphore_mem>>
      %dma_start3A = arith.constant 0 : i32
      %dma_start3A_13 = tpu.memref_slice %arg15[%mul3A_2, %dma_start3A] : memref<10240x128xf32, #tpu.memory_space<vmem_shared>> -> memref<640x128xf32, #tpu.memory_space<vmem_shared>>
      tpu.enqueue_dma source(%arg5 : memref<640x128xf32, #tpu.memory_space<hbm>>) target(%dma_start3A_13 : memref<640x128xf32, #tpu.memory_space<vmem_shared>>) target_semaphore(%run_scoped3A : memref<!tpu.dma_semaphore, #tpu.memory_space<semaphore_mem>>)
      %dma_wait3A = arith.constant 0 : i32
      %dma_wait3A_14 = tpu.memref_slice %arg15[%mul3A_2, %dma_wait3A] : memref<10240x128xf32, #tpu.memory_space<vmem_shared>> -> memref<640x128xf32, #tpu.memory_space<vmem_shared>>
      tpu.wait_dma2 semaphore(%run_scoped3A : memref<!tpu.dma_semaphore, #tpu.memory_space<semaphore_mem>>) src(%arg5 : memref<640x128xf32, #tpu.memory_space<hbm>>) dst(%dma_wait3A_14 : memref<640x128xf32, #tpu.memory_space<vmem_shared>>)
      tpu.yield
    }) : () -> ()
    %barrier3A = arith.constant 0 : index
    tpu.barrier barrier_id(%barrier3A)
    %scan3A = arith.constant 0 : i32
    %scan3A_3 = arith.constant 0 : i32
    %scan3A_4 = arith.constant 2 : i32
    %scan3A_5 = arith.addi %scan3A_3, %scan3A_4 : i32
    %scan3A_6 = arith.constant 1 : i32
    scf.for %scan3A_13 = %scan3A_3 to %scan3A_5 step %scan3A_6  : i32 {
      %mul3A_14 = arith.constant 40 : i32
      %mul3A_15 = arith.muli %scan3A_13, %mul3A_14 : i32
      "tpu.region"() ({
        %run_scoped3A = tpu.sem_alloc : memref<!tpu.dma_semaphore, #tpu.memory_space<semaphore_mem>>
        %dma_start3A_37 = arith.constant 0 : i32
        %dma_start3A_38 = tpu.memref_slice %arg3[%add3A, %mul3A_15, %dma_start3A_37] : memref<32x80x128xi32, #tpu.memory_space<hbm>> -> memref<1x40x128xi32, #tpu.memory_space<hbm>>
        %dma_start3A_39 = tpu.memref_squeeze %dma_start3A_38 : memref<1x40x128xi32, #tpu.memory_space<hbm>> -> memref<40x128xi32, #tpu.memory_space<hbm>>
        %dma_start3A_40 = arith.constant 0 : i32
        %dma_start3A_41 = tpu.memref_slice %arg3[%add3A, %mul3A_15, %dma_start3A_40] : memref<32x80x128xi32, #tpu.memory_space<hbm>> -> memref<1x40x128xi32, #tpu.memory_space<hbm>>
        %dma_start3A_42 = tpu.memref_squeeze %dma_start3A_41 : memref<1x40x128xi32, #tpu.memory_space<hbm>> -> memref<40x128xi32, #tpu.memory_space<hbm>>
        tpu.enqueue_dma source(%dma_start3A_42 : memref<40x128xi32, #tpu.memory_space<hbm>>) target(%arg7 : memref<40x128xi32, #tpu.memory_space<vmem>>) target_semaphore(%run_scoped3A : memref<!tpu.dma_semaphore, #tpu.memory_space<semaphore_mem>>)
        %dma_wait3A = arith.constant 0 : i32
        %dma_wait3A_43 = tpu.memref_slice %arg3[%add3A, %mul3A_15, %dma_wait3A] : memref<32x80x128xi32, #tpu.memory_space<hbm>> -> memref<1x40x128xi32, #tpu.memory_space<hbm>>
        %dma_wait3A_44 = tpu.memref_squeeze %dma_wait3A_43 : memref<1x40x128xi32, #tpu.memory_space<hbm>> -> memref<40x128xi32, #tpu.memory_space<hbm>>
        %dma_wait3A_45 = arith.constant 0 : i32
        %dma_wait3A_46 = tpu.memref_slice %arg3[%add3A, %mul3A_15, %dma_wait3A_45] : memref<32x80x128xi32, #tpu.memory_space<hbm>> -> memref<1x40x128xi32, #tpu.memory_space<hbm>>
        %dma_wait3A_47 = tpu.memref_squeeze %dma_wait3A_46 : memref<1x40x128xi32, #tpu.memory_space<hbm>> -> memref<40x128xi32, #tpu.memory_space<hbm>>
        tpu.wait_dma2 semaphore(%run_scoped3A : memref<!tpu.dma_semaphore, #tpu.memory_space<semaphore_mem>>) src(%dma_wait3A_47 : memref<40x128xi32, #tpu.memory_space<hbm>>) dst(%arg7 : memref<40x128xi32, #tpu.memory_space<vmem>>)
        tpu.yield
      }) : () -> ()
      %mul3A_16 = arith.constant 40 : i32
      %mul3A_17 = arith.muli %scan3A_13, %mul3A_16 : i32
      "tpu.region"() ({
        %run_scoped3A = tpu.sem_alloc : memref<!tpu.dma_semaphore, #tpu.memory_space<semaphore_mem>>
        %dma_start3A_37 = arith.constant 0 : i32
        %dma_start3A_38 = tpu.memref_slice %arg4[%add3A, %mul3A_17, %dma_start3A_37] : memref<32x80x128xi32, #tpu.memory_space<hbm>> -> memref<1x40x128xi32, #tpu.memory_space<hbm>>
        %dma_start3A_39 = tpu.memref_squeeze %dma_start3A_38 : memref<1x40x128xi32, #tpu.memory_space<hbm>> -> memref<40x128xi32, #tpu.memory_space<hbm>>
        %dma_start3A_40 = arith.constant 0 : i32
        %dma_start3A_41 = tpu.memref_slice %arg4[%add3A, %mul3A_17, %dma_start3A_40] : memref<32x80x128xi32, #tpu.memory_space<hbm>> -> memref<1x40x128xi32, #tpu.memory_space<hbm>>
        %dma_start3A_42 = tpu.memref_squeeze %dma_start3A_41 : memref<1x40x128xi32, #tpu.memory_space<hbm>> -> memref<40x128xi32, #tpu.memory_space<hbm>>
        tpu.enqueue_dma source(%dma_start3A_42 : memref<40x128xi32, #tpu.memory_space<hbm>>) target(%arg8 : memref<40x128xi32, #tpu.memory_space<vmem>>) target_semaphore(%run_scoped3A : memref<!tpu.dma_semaphore, #tpu.memory_space<semaphore_mem>>)
        %dma_wait3A = arith.constant 0 : i32
        %dma_wait3A_43 = tpu.memref_slice %arg4[%add3A, %mul3A_17, %dma_wait3A] : memref<32x80x128xi32, #tpu.memory_space<hbm>> -> memref<1x40x128xi32, #tpu.memory_space<hbm>>
        %dma_wait3A_44 = tpu.memref_squeeze %dma_wait3A_43 : memref<1x40x128xi32, #tpu.memory_space<hbm>> -> memref<40x128xi32, #tpu.memory_space<hbm>>
        %dma_wait3A_45 = arith.constant 0 : i32
        %dma_wait3A_46 = tpu.memref_slice %arg4[%add3A, %mul3A_17, %dma_wait3A_45] : memref<32x80x128xi32, #tpu.memory_space<hbm>> -> memref<1x40x128xi32, #tpu.memory_space<hbm>>
        %dma_wait3A_47 = tpu.memref_squeeze %dma_wait3A_46 : memref<1x40x128xi32, #tpu.memory_space<hbm>> -> memref<40x128xi32, #tpu.memory_space<hbm>>
        tpu.wait_dma2 semaphore(%run_scoped3A : memref<!tpu.dma_semaphore, #tpu.memory_space<semaphore_mem>>) src(%dma_wait3A_47 : memref<40x128xi32, #tpu.memory_space<hbm>>) dst(%arg8 : memref<40x128xi32, #tpu.memory_space<vmem>>)
        tpu.yield
      }) : () -> ()
      %dma_start3A = arith.constant 0 : i32
      %dma_start3A_18 = arith.constant 0 : i32
      %dma_start3A_19 = tpu.memref_slice %arg7[%dma_start3A, %dma_start3A_18] : memref<40x128xi32, #tpu.memory_space<vmem>> -> memref<1x128xi32, #tpu.memory_space<vmem>>
      %dma_start3A_20 = tpu.memref_squeeze %dma_start3A_19 : memref<1x128xi32, #tpu.memory_space<vmem>> -> memref<128xi32, #tpu.memory_space<vmem>>
      %dma_start3A_21 = arith.constant 0 : i32
      %dma_start3A_22 = arith.constant 0 : i32
      %dma_start3A_23 = tpu.memref_slice %arg2[%dma_start3A_21, %dma_start3A_22] : memref<10240x128xf32, #tpu.memory_space<hbm>> -> memref<10240x128xf32, #tpu.memory_space<hbm>>
      tpu.enqueue_indirect_dma source(%dma_start3A_23 : memref<10240x128xf32, #tpu.memory_space<hbm>>) target(%arg9 : memref<128x128xf32, #tpu.memory_space<vmem>>) offsets(%dma_start3A_20 : memref<128xi32, #tpu.memory_space<vmem>>) semaphore(%arg11 : memref<!tpu.dma_semaphore, #tpu.memory_space<semaphore_mem>>)
      %dma_start3A_24 = arith.constant 1 : i32
      %dma_start3A_25 = arith.constant 0 : i32
      %dma_start3A_26 = tpu.memref_slice %arg7[%dma_start3A_24, %dma_start3A_25] : memref<40x128xi32, #tpu.memory_space<vmem>> -> memref<1x128xi32, #tpu.memory_space<vmem>>
      %dma_start3A_27 = tpu.memref_squeeze %dma_start3A_26 : memref<1x128xi32, #tpu.memory_space<vmem>> -> memref<128xi32, #tpu.memory_space<vmem>>
      %dma_start3A_28 = arith.constant 0 : i32
      %dma_start3A_29 = arith.constant 0 : i32
      %dma_start3A_30 = tpu.memref_slice %arg2[%dma_start3A_28, %dma_start3A_29] : memref<10240x128xf32, #tpu.memory_space<hbm>> -> memref<10240x128xf32, #tpu.memory_space<hbm>>
      tpu.enqueue_indirect_dma source(%dma_start3A_30 : memref<10240x128xf32, #tpu.memory_space<hbm>>) target(%arg10 : memref<128x128xf32, #tpu.memory_space<vmem>>) offsets(%dma_start3A_27 : memref<128xi32, #tpu.memory_space<vmem>>) semaphore(%arg12 : memref<!tpu.dma_semaphore, #tpu.memory_space<semaphore_mem>>)
      %scan3A_31 = arith.constant 0 : i32
      %scan3A_32 = arith.constant 0 : i32
      %scan3A_33 = arith.constant 20 : i32
      %scan3A_34 = arith.addi %scan3A_32, %scan3A_33 : i32
      %scan3A_35 = arith.constant 1 : i32
      scf.for %scan3A_37 = %scan3A_32 to %scan3A_34 step %scan3A_35  : i32 {
        %mul3A_38 = arith.constant 2 : i32
        %mul3A_39 = arith.muli %scan3A_37, %mul3A_38 : i32
        %add3A_40 = arith.constant 0 : i32
        %add3A_41 = arith.addi %mul3A_39, %add3A_40 : i32
        %dma_wait3A = arith.constant 0 : i32
        %dma_wait3A_42 = tpu.memref_slice %arg7[%add3A_41, %dma_wait3A] : memref<40x128xi32, #tpu.memory_space<vmem>> -> memref<1x128xi32, #tpu.memory_space<vmem>>
        %dma_wait3A_43 = tpu.memref_squeeze %dma_wait3A_42 : memref<1x128xi32, #tpu.memory_space<vmem>> -> memref<128xi32, #tpu.memory_space<vmem>>
        %dma_wait3A_44 = arith.constant 0 : i32
        %dma_wait3A_45 = arith.constant 0 : i32
        %dma_wait3A_46 = tpu.memref_slice %arg2[%dma_wait3A_44, %dma_wait3A_45] : memref<10240x128xf32, #tpu.memory_space<hbm>> -> memref<10240x128xf32, #tpu.memory_space<hbm>>
        tpu.wait_indirect_dma semaphore(%arg11 : memref<!tpu.dma_semaphore, #tpu.memory_space<semaphore_mem>>) src(%dma_wait3A_46 : memref<10240x128xf32, #tpu.memory_space<hbm>>) dst(%arg9 : memref<128x128xf32, #tpu.memory_space<vmem>>)
        %dma_start3A_47 = arith.constant 0 : i32
        %dma_start3A_48 = tpu.memref_slice %arg8[%add3A_41, %dma_start3A_47] : memref<40x128xi32, #tpu.memory_space<vmem>> -> memref<1x128xi32, #tpu.memory_space<vmem>>
        %dma_start3A_49 = tpu.memref_squeeze %dma_start3A_48 : memref<1x128xi32, #tpu.memory_space<vmem>> -> memref<128xi32, #tpu.memory_space<vmem>>
        %dma_start3A_50 = arith.constant 0 : i32
        %dma_start3A_51 = arith.constant 0 : i32
        %dma_start3A_52 = tpu.memref_slice %arg15[%dma_start3A_50, %dma_start3A_51] : memref<10240x128xf32, #tpu.memory_space<vmem_shared>> -> memref<10240x128xf32, #tpu.memory_space<vmem_shared>>
        tpu.enqueue_indirect_dma source(%arg9 : memref<128x128xf32, #tpu.memory_space<vmem>>) target(%dma_start3A_52 : memref<10240x128xf32, #tpu.memory_space<vmem_shared>>) offsets(%dma_start3A_49 : memref<128xi32, #tpu.memory_space<vmem>>) semaphore(%arg13 : memref<!tpu.dma_semaphore, #tpu.memory_space<semaphore_mem>>) {add = true}
        %dma_wait3A_53 = arith.constant 0 : i32
        %dma_wait3A_54 = tpu.memref_slice %arg8[%add3A_41, %dma_wait3A_53] : memref<40x128xi32, #tpu.memory_space<vmem>> -> memref<1x128xi32, #tpu.memory_space<vmem>>
        %dma_wait3A_55 = tpu.memref_squeeze %dma_wait3A_54 : memref<1x128xi32, #tpu.memory_space<vmem>> -> memref<128xi32, #tpu.memory_space<vmem>>
        %dma_wait3A_56 = arith.constant 0 : i32
        %dma_wait3A_57 = arith.constant 0 : i32
        %dma_wait3A_58 = tpu.memref_slice %arg15[%dma_wait3A_56, %dma_wait3A_57] : memref<10240x128xf32, #tpu.memory_space<vmem_shared>> -> memref<10240x128xf32, #tpu.memory_space<vmem_shared>>
        tpu.wait_indirect_dma semaphore(%arg13 : memref<!tpu.dma_semaphore, #tpu.memory_space<semaphore_mem>>) src(%arg9 : memref<128x128xf32, #tpu.memory_space<vmem>>) dst(%dma_wait3A_58 : memref<10240x128xf32, #tpu.memory_space<vmem_shared>>)
        %add3A_59 = arith.constant 2 : i32
        %add3A_60 = arith.addi %add3A_41, %add3A_59 : i32
        %lt3A = arith.constant 40 : i32
        %lt3A_61 = arith.cmpi slt, %add3A_60, %lt3A : i32
        %convert_element_type3A = arith.extui %lt3A_61 : i1 to i32
        %cond3A = arith.constant 0 : i32
        %cond3A_62 = arith.cmpi ne, %convert_element_type3A, %cond3A : i32
        scf.if %cond3A_62 {
          %dma_start3A_92 = arith.constant 0 : i32
          %dma_start3A_93 = tpu.memref_slice %arg7[%add3A_60, %dma_start3A_92] : memref<40x128xi32, #tpu.memory_space<vmem>> -> memref<1x128xi32, #tpu.memory_space<vmem>>
          %dma_start3A_94 = tpu.memref_squeeze %dma_start3A_93 : memref<1x128xi32, #tpu.memory_space<vmem>> -> memref<128xi32, #tpu.memory_space<vmem>>
          %dma_start3A_95 = arith.constant 0 : i32
          %dma_start3A_96 = arith.constant 0 : i32
          %dma_start3A_97 = tpu.memref_slice %arg2[%dma_start3A_95, %dma_start3A_96] : memref<10240x128xf32, #tpu.memory_space<hbm>> -> memref<10240x128xf32, #tpu.memory_space<hbm>>
          tpu.enqueue_indirect_dma source(%dma_start3A_97 : memref<10240x128xf32, #tpu.memory_space<hbm>>) target(%arg9 : memref<128x128xf32, #tpu.memory_space<vmem>>) offsets(%dma_start3A_94 : memref<128xi32, #tpu.memory_space<vmem>>) semaphore(%arg11 : memref<!tpu.dma_semaphore, #tpu.memory_space<semaphore_mem>>)
        } else {
        }
        %mul3A_63 = arith.constant 2 : i32
        %mul3A_64 = arith.muli %scan3A_37, %mul3A_63 : i32
        %add3A_65 = arith.constant 1 : i32
        %add3A_66 = arith.addi %mul3A_64, %add3A_65 : i32
        %dma_wait3A_67 = arith.constant 0 : i32
        %dma_wait3A_68 = tpu.memref_slice %arg7[%add3A_66, %dma_wait3A_67] : memref<40x128xi32, #tpu.memory_space<vmem>> -> memref<1x128xi32, #tpu.memory_space<vmem>>
        %dma_wait3A_69 = tpu.memref_squeeze %dma_wait3A_68 : memref<1x128xi32, #tpu.memory_space<vmem>> -> memref<128xi32, #tpu.memory_space<vmem>>
        %dma_wait3A_70 = arith.constant 0 : i32
        %dma_wait3A_71 = arith.constant 0 : i32
        %dma_wait3A_72 = tpu.memref_slice %arg2[%dma_wait3A_70, %dma_wait3A_71] : memref<10240x128xf32, #tpu.memory_space<hbm>> -> memref<10240x128xf32, #tpu.memory_space<hbm>>
        tpu.wait_indirect_dma semaphore(%arg12 : memref<!tpu.dma_semaphore, #tpu.memory_space<semaphore_mem>>) src(%dma_wait3A_72 : memref<10240x128xf32, #tpu.memory_space<hbm>>) dst(%arg10 : memref<128x128xf32, #tpu.memory_space<vmem>>)
        %dma_start3A_73 = arith.constant 0 : i32
        %dma_start3A_74 = tpu.memref_slice %arg8[%add3A_66, %dma_start3A_73] : memref<40x128xi32, #tpu.memory_space<vmem>> -> memref<1x128xi32, #tpu.memory_space<vmem>>
        %dma_start3A_75 = tpu.memref_squeeze %dma_start3A_74 : memref<1x128xi32, #tpu.memory_space<vmem>> -> memref<128xi32, #tpu.memory_space<vmem>>
        %dma_start3A_76 = arith.constant 0 : i32
        %dma_start3A_77 = arith.constant 0 : i32
        %dma_start3A_78 = tpu.memref_slice %arg15[%dma_start3A_76, %dma_start3A_77] : memref<10240x128xf32, #tpu.memory_space<vmem_shared>> -> memref<10240x128xf32, #tpu.memory_space<vmem_shared>>
        tpu.enqueue_indirect_dma source(%arg10 : memref<128x128xf32, #tpu.memory_space<vmem>>) target(%dma_start3A_78 : memref<10240x128xf32, #tpu.memory_space<vmem_shared>>) offsets(%dma_start3A_75 : memref<128xi32, #tpu.memory_space<vmem>>) semaphore(%arg14 : memref<!tpu.dma_semaphore, #tpu.memory_space<semaphore_mem>>) {add = true}
        %dma_wait3A_79 = arith.constant 0 : i32
        %dma_wait3A_80 = tpu.memref_slice %arg8[%add3A_66, %dma_wait3A_79] : memref<40x128xi32, #tpu.memory_space<vmem>> -> memref<1x128xi32, #tpu.memory_space<vmem>>
        %dma_wait3A_81 = tpu.memref_squeeze %dma_wait3A_80 : memref<1x128xi32, #tpu.memory_space<vmem>> -> memref<128xi32, #tpu.memory_space<vmem>>
        %dma_wait3A_82 = arith.constant 0 : i32
        %dma_wait3A_83 = arith.constant 0 : i32
        %dma_wait3A_84 = tpu.memref_slice %arg15[%dma_wait3A_82, %dma_wait3A_83] : memref<10240x128xf32, #tpu.memory_space<vmem_shared>> -> memref<10240x128xf32, #tpu.memory_space<vmem_shared>>
        tpu.wait_indirect_dma semaphore(%arg14 : memref<!tpu.dma_semaphore, #tpu.memory_space<semaphore_mem>>) src(%arg10 : memref<128x128xf32, #tpu.memory_space<vmem>>) dst(%dma_wait3A_84 : memref<10240x128xf32, #tpu.memory_space<vmem_shared>>)
        %add3A_85 = arith.constant 2 : i32
        %add3A_86 = arith.addi %add3A_66, %add3A_85 : i32
        %lt3A_87 = arith.constant 40 : i32
        %lt3A_88 = arith.cmpi slt, %add3A_86, %lt3A_87 : i32
        %convert_element_type3A_89 = arith.extui %lt3A_88 : i1 to i32
        %cond3A_90 = arith.constant 0 : i32
        %cond3A_91 = arith.cmpi ne, %convert_element_type3A_89, %cond3A_90 : i32
        scf.if %cond3A_91 {
          %dma_start3A_92 = arith.constant 0 : i32
          %dma_start3A_93 = tpu.memref_slice %arg7[%add3A_86, %dma_start3A_92] : memref<40x128xi32, #tpu.memory_space<vmem>> -> memref<1x128xi32, #tpu.memory_space<vmem>>
          %dma_start3A_94 = tpu.memref_squeeze %dma_start3A_93 : memref<1x128xi32, #tpu.memory_space<vmem>> -> memref<128xi32, #tpu.memory_space<vmem>>
          %dma_start3A_95 = arith.constant 0 : i32
          %dma_start3A_96 = arith.constant 0 : i32
          %dma_start3A_97 = tpu.memref_slice %arg2[%dma_start3A_95, %dma_start3A_96] : memref<10240x128xf32, #tpu.memory_space<hbm>> -> memref<10240x128xf32, #tpu.memory_space<hbm>>
          tpu.enqueue_indirect_dma source(%dma_start3A_97 : memref<10240x128xf32, #tpu.memory_space<hbm>>) target(%arg10 : memref<128x128xf32, #tpu.memory_space<vmem>>) offsets(%dma_start3A_94 : memref<128xi32, #tpu.memory_space<vmem>>) semaphore(%arg12 : memref<!tpu.dma_semaphore, #tpu.memory_space<semaphore_mem>>)
        } else {
        }
      }
      %scan3A_36 = arith.constant 20 : i32
    }
    %scan3A_7 = arith.constant 2 : i32
    %barrier3A_8 = arith.constant 0 : index
    tpu.barrier barrier_id(%barrier3A_8)
    %mul3A_9 = arith.constant 640 : i32
    %mul3A_10 = arith.muli %arg1, %mul3A_9 : i32
    %mul3A_11 = arith.constant 640 : i32
    %mul3A_12 = arith.muli %arg1, %mul3A_11 : i32
    "tpu.region"() ({
      %run_scoped3A = tpu.sem_alloc : memref<!tpu.dma_semaphore, #tpu.memory_space<semaphore_mem>>
      %dma_start3A = arith.constant 0 : i32
      %dma_start3A_13 = tpu.memref_slice %arg6[%arg0, %mul3A_12, %dma_start3A] : memref<2x10240x128xf32, #tpu.memory_space<hbm>> -> memref<1x640x128xf32, #tpu.memory_space<hbm>>
      %dma_start3A_14 = tpu.memref_squeeze %dma_start3A_13 : memref<1x640x128xf32, #tpu.memory_space<hbm>> -> memref<640x128xf32, #tpu.memory_space<hbm>>
      %dma_start3A_15 = arith.constant 0 : i32
      %dma_start3A_16 = tpu.memref_slice %arg15[%mul3A_10, %dma_start3A_15] : memref<10240x128xf32, #tpu.memory_space<vmem_shared>> -> memref<640x128xf32, #tpu.memory_space<vmem_shared>>
      tpu.enqueue_dma source(%dma_start3A_16 : memref<640x128xf32, #tpu.memory_space<vmem_shared>>) target(%dma_start3A_14 : memref<640x128xf32, #tpu.memory_space<hbm>>) target_semaphore(%run_scoped3A : memref<!tpu.dma_semaphore, #tpu.memory_space<semaphore_mem>>)
      %dma_wait3A = arith.constant 0 : i32
      %dma_wait3A_17 = tpu.memref_slice %arg6[%arg0, %mul3A_12, %dma_wait3A] : memref<2x10240x128xf32, #tpu.memory_space<hbm>> -> memref<1x640x128xf32, #tpu.memory_space<hbm>>
      %dma_wait3A_18 = tpu.memref_squeeze %dma_wait3A_17 : memref<1x640x128xf32, #tpu.memory_space<hbm>> -> memref<640x128xf32, #tpu.memory_space<hbm>>
      %dma_wait3A_19 = arith.constant 0 : i32
      %dma_wait3A_20 = tpu.memref_slice %arg15[%mul3A_10, %dma_wait3A_19] : memref<10240x128xf32, #tpu.memory_space<vmem_shared>> -> memref<640x128xf32, #tpu.memory_space<vmem_shared>>
      tpu.wait_dma2 semaphore(%run_scoped3A : memref<!tpu.dma_semaphore, #tpu.memory_space<semaphore_mem>>) src(%dma_wait3A_20 : memref<640x128xf32, #tpu.memory_space<vmem_shared>>) dst(%dma_wait3A_18 : memref<640x128xf32, #tpu.memory_space<hbm>>)
      tpu.yield
    }) : () -> ()
    return
  }
}

#map = affine_map<(d0, d1) -> (0, 0)>
#map1 = affine_map<(d0, d1) -> (0, 0, 0)>
module attributes {stable_mosaic.version = 14 : i64} {
  func.func @_sc_scatter_body(%arg0: i32, %arg1: i32, %arg2: memref<10240x128xf32, #tpu.memory_space<hbm>>, %arg3: memref<32x80x128xi32, #tpu.memory_space<hbm>>, %arg4: memref<32x80x128xi32, #tpu.memory_space<hbm>>, %arg5: memref<640x128xf32, #tpu.memory_space<hbm>>, %arg6: memref<2x10240x128xf32, #tpu.memory_space<hbm>>, %arg7: memref<40x128xi32, #tpu.memory_space<vmem>>, %arg8: memref<40x128xi32, #tpu.memory_space<vmem>>, %arg9: memref<128x128xf32, #tpu.memory_space<vmem>>, %arg10: memref<128x128xf32, #tpu.memory_space<vmem>>, %arg11: memref<!tpu.dma_semaphore, #tpu.memory_space<semaphore_mem>>, %arg12: memref<!tpu.dma_semaphore, #tpu.memory_space<semaphore_mem>>, %arg13: memref<!tpu.dma_semaphore, #tpu.memory_space<semaphore_mem>>, %arg14: memref<!tpu.dma_semaphore, #tpu.memory_space<semaphore_mem>>, %arg15: memref<10240x128xf32, #tpu.memory_space<vmem_shared>>) attributes {dimension_semantics = [#tpu.dimension_semantics<core_parallel>, #tpu.dimension_semantics<subcore_parallel>], iteration_bounds = array<i64: 2, 16>, scalar_prefetch = 0 : i64, scratch_operands = 9 : i64, tpu.core_type = #tpu.core_type<sc_vector_subcore>, window_params = [{transform_indices = #map}, {transform_indices = #map1}, {transform_indices = #map1}, {transform_indices = #map}, {transform_indices = #map1}]} {
    %mul3A = arith.constant 2 : i32
    %mul3A_0 = arith.muli %arg1, %mul3A : i32
    %add3A = arith.addi %mul3A_0, %arg0 : i32
    %mul3A_1 = arith.constant 640 : i32
    %mul3A_2 = arith.muli %arg1, %mul3A_1 : i32
    "tpu.region"() ({
      %run_scoped3A = tpu.sem_alloc : memref<!tpu.dma_semaphore, #tpu.memory_space<semaphore_mem>>
      %dma_start3A = arith.constant 0 : i32
      %dma_start3A_13 = tpu.memref_slice %arg15[%mul3A_2, %dma_start3A] : memref<10240x128xf32, #tpu.memory_space<vmem_shared>> -> memref<640x128xf32, #tpu.memory_space<vmem_shared>>
      tpu.enqueue_dma source(%arg5 : memref<640x128xf32, #tpu.memory_space<hbm>>) target(%dma_start3A_13 : memref<640x128xf32, #tpu.memory_space<vmem_shared>>) target_semaphore(%run_scoped3A : memref<!tpu.dma_semaphore, #tpu.memory_space<semaphore_mem>>)
      %dma_wait3A = arith.constant 0 : i32
      %dma_wait3A_14 = tpu.memref_slice %arg15[%mul3A_2, %dma_wait3A] : memref<10240x128xf32, #tpu.memory_space<vmem_shared>> -> memref<640x128xf32, #tpu.memory_space<vmem_shared>>
      tpu.wait_dma2 semaphore(%run_scoped3A : memref<!tpu.dma_semaphore, #tpu.memory_space<semaphore_mem>>) src(%arg5 : memref<640x128xf32, #tpu.memory_space<hbm>>) dst(%dma_wait3A_14 : memref<640x128xf32, #tpu.memory_space<vmem_shared>>)
      tpu.yield
    }) : () -> ()
    %barrier3A = arith.constant 0 : index
    tpu.barrier barrier_id(%barrier3A)
    %scan3A = arith.constant 0 : i32
    %scan3A_3 = arith.constant 0 : i32
    %scan3A_4 = arith.constant 2 : i32
    %scan3A_5 = arith.addi %scan3A_3, %scan3A_4 : i32
    %scan3A_6 = arith.constant 1 : i32
    scf.for %scan3A_13 = %scan3A_3 to %scan3A_5 step %scan3A_6  : i32 {
      %mul3A_14 = arith.constant 40 : i32
      %mul3A_15 = arith.muli %scan3A_13, %mul3A_14 : i32
      "tpu.region"() ({
        %run_scoped3A = tpu.sem_alloc : memref<!tpu.dma_semaphore, #tpu.memory_space<semaphore_mem>>
        %dma_start3A_37 = arith.constant 0 : i32
        %dma_start3A_38 = tpu.memref_slice %arg3[%add3A, %mul3A_15, %dma_start3A_37] : memref<32x80x128xi32, #tpu.memory_space<hbm>> -> memref<1x40x128xi32, #tpu.memory_space<hbm>>
        %dma_start3A_39 = tpu.memref_squeeze %dma_start3A_38 : memref<1x40x128xi32, #tpu.memory_space<hbm>> -> memref<40x128xi32, #tpu.memory_space<hbm>>
        %dma_start3A_40 = arith.constant 0 : i32
        %dma_start3A_41 = tpu.memref_slice %arg3[%add3A, %mul3A_15, %dma_start3A_40] : memref<32x80x128xi32, #tpu.memory_space<hbm>> -> memref<1x40x128xi32, #tpu.memory_space<hbm>>
        %dma_start3A_42 = tpu.memref_squeeze %dma_start3A_41 : memref<1x40x128xi32, #tpu.memory_space<hbm>> -> memref<40x128xi32, #tpu.memory_space<hbm>>
        tpu.enqueue_dma source(%dma_start3A_42 : memref<40x128xi32, #tpu.memory_space<hbm>>) target(%arg7 : memref<40x128xi32, #tpu.memory_space<vmem>>) target_semaphore(%run_scoped3A : memref<!tpu.dma_semaphore, #tpu.memory_space<semaphore_mem>>)
        %dma_wait3A = arith.constant 0 : i32
        %dma_wait3A_43 = tpu.memref_slice %arg3[%add3A, %mul3A_15, %dma_wait3A] : memref<32x80x128xi32, #tpu.memory_space<hbm>> -> memref<1x40x128xi32, #tpu.memory_space<hbm>>
        %dma_wait3A_44 = tpu.memref_squeeze %dma_wait3A_43 : memref<1x40x128xi32, #tpu.memory_space<hbm>> -> memref<40x128xi32, #tpu.memory_space<hbm>>
        %dma_wait3A_45 = arith.constant 0 : i32
        %dma_wait3A_46 = tpu.memref_slice %arg3[%add3A, %mul3A_15, %dma_wait3A_45] : memref<32x80x128xi32, #tpu.memory_space<hbm>> -> memref<1x40x128xi32, #tpu.memory_space<hbm>>
        %dma_wait3A_47 = tpu.memref_squeeze %dma_wait3A_46 : memref<1x40x128xi32, #tpu.memory_space<hbm>> -> memref<40x128xi32, #tpu.memory_space<hbm>>
        tpu.wait_dma2 semaphore(%run_scoped3A : memref<!tpu.dma_semaphore, #tpu.memory_space<semaphore_mem>>) src(%dma_wait3A_47 : memref<40x128xi32, #tpu.memory_space<hbm>>) dst(%arg7 : memref<40x128xi32, #tpu.memory_space<vmem>>)
        tpu.yield
      }) : () -> ()
      %mul3A_16 = arith.constant 40 : i32
      %mul3A_17 = arith.muli %scan3A_13, %mul3A_16 : i32
      "tpu.region"() ({
        %run_scoped3A = tpu.sem_alloc : memref<!tpu.dma_semaphore, #tpu.memory_space<semaphore_mem>>
        %dma_start3A_37 = arith.constant 0 : i32
        %dma_start3A_38 = tpu.memref_slice %arg4[%add3A, %mul3A_17, %dma_start3A_37] : memref<32x80x128xi32, #tpu.memory_space<hbm>> -> memref<1x40x128xi32, #tpu.memory_space<hbm>>
        %dma_start3A_39 = tpu.memref_squeeze %dma_start3A_38 : memref<1x40x128xi32, #tpu.memory_space<hbm>> -> memref<40x128xi32, #tpu.memory_space<hbm>>
        %dma_start3A_40 = arith.constant 0 : i32
        %dma_start3A_41 = tpu.memref_slice %arg4[%add3A, %mul3A_17, %dma_start3A_40] : memref<32x80x128xi32, #tpu.memory_space<hbm>> -> memref<1x40x128xi32, #tpu.memory_space<hbm>>
        %dma_start3A_42 = tpu.memref_squeeze %dma_start3A_41 : memref<1x40x128xi32, #tpu.memory_space<hbm>> -> memref<40x128xi32, #tpu.memory_space<hbm>>
        tpu.enqueue_dma source(%dma_start3A_42 : memref<40x128xi32, #tpu.memory_space<hbm>>) target(%arg8 : memref<40x128xi32, #tpu.memory_space<vmem>>) target_semaphore(%run_scoped3A : memref<!tpu.dma_semaphore, #tpu.memory_space<semaphore_mem>>)
        %dma_wait3A = arith.constant 0 : i32
        %dma_wait3A_43 = tpu.memref_slice %arg4[%add3A, %mul3A_17, %dma_wait3A] : memref<32x80x128xi32, #tpu.memory_space<hbm>> -> memref<1x40x128xi32, #tpu.memory_space<hbm>>
        %dma_wait3A_44 = tpu.memref_squeeze %dma_wait3A_43 : memref<1x40x128xi32, #tpu.memory_space<hbm>> -> memref<40x128xi32, #tpu.memory_space<hbm>>
        %dma_wait3A_45 = arith.constant 0 : i32
        %dma_wait3A_46 = tpu.memref_slice %arg4[%add3A, %mul3A_17, %dma_wait3A_45] : memref<32x80x128xi32, #tpu.memory_space<hbm>> -> memref<1x40x128xi32, #tpu.memory_space<hbm>>
        %dma_wait3A_47 = tpu.memref_squeeze %dma_wait3A_46 : memref<1x40x128xi32, #tpu.memory_space<hbm>> -> memref<40x128xi32, #tpu.memory_space<hbm>>
        tpu.wait_dma2 semaphore(%run_scoped3A : memref<!tpu.dma_semaphore, #tpu.memory_space<semaphore_mem>>) src(%dma_wait3A_47 : memref<40x128xi32, #tpu.memory_space<hbm>>) dst(%arg8 : memref<40x128xi32, #tpu.memory_space<vmem>>)
        tpu.yield
      }) : () -> ()
      %dma_start3A = arith.constant 0 : i32
      %dma_start3A_18 = arith.constant 0 : i32
      %dma_start3A_19 = tpu.memref_slice %arg7[%dma_start3A, %dma_start3A_18] : memref<40x128xi32, #tpu.memory_space<vmem>> -> memref<1x128xi32, #tpu.memory_space<vmem>>
      %dma_start3A_20 = tpu.memref_squeeze %dma_start3A_19 : memref<1x128xi32, #tpu.memory_space<vmem>> -> memref<128xi32, #tpu.memory_space<vmem>>
      %dma_start3A_21 = arith.constant 0 : i32
      %dma_start3A_22 = arith.constant 0 : i32
      %dma_start3A_23 = tpu.memref_slice %arg2[%dma_start3A_21, %dma_start3A_22] : memref<10240x128xf32, #tpu.memory_space<hbm>> -> memref<10240x128xf32, #tpu.memory_space<hbm>>
      tpu.enqueue_indirect_dma source(%dma_start3A_23 : memref<10240x128xf32, #tpu.memory_space<hbm>>) target(%arg9 : memref<128x128xf32, #tpu.memory_space<vmem>>) offsets(%dma_start3A_20 : memref<128xi32, #tpu.memory_space<vmem>>) semaphore(%arg11 : memref<!tpu.dma_semaphore, #tpu.memory_space<semaphore_mem>>)
      %dma_start3A_24 = arith.constant 1 : i32
      %dma_start3A_25 = arith.constant 0 : i32
      %dma_start3A_26 = tpu.memref_slice %arg7[%dma_start3A_24, %dma_start3A_25] : memref<40x128xi32, #tpu.memory_space<vmem>> -> memref<1x128xi32, #tpu.memory_space<vmem>>
      %dma_start3A_27 = tpu.memref_squeeze %dma_start3A_26 : memref<1x128xi32, #tpu.memory_space<vmem>> -> memref<128xi32, #tpu.memory_space<vmem>>
      %dma_start3A_28 = arith.constant 0 : i32
      %dma_start3A_29 = arith.constant 0 : i32
      %dma_start3A_30 = tpu.memref_slice %arg2[%dma_start3A_28, %dma_start3A_29] : memref<10240x128xf32, #tpu.memory_space<hbm>> -> memref<10240x128xf32, #tpu.memory_space<hbm>>
      tpu.enqueue_indirect_dma source(%dma_start3A_30 : memref<10240x128xf32, #tpu.memory_space<hbm>>) target(%arg10 : memref<128x128xf32, #tpu.memory_space<vmem>>) offsets(%dma_start3A_27 : memref<128xi32, #tpu.memory_space<vmem>>) semaphore(%arg12 : memref<!tpu.dma_semaphore, #tpu.memory_space<semaphore_mem>>)
      %scan3A_31 = arith.constant 0 : i32
      %scan3A_32 = arith.constant 0 : i32
      %scan3A_33 = arith.constant 20 : i32
      %scan3A_34 = arith.addi %scan3A_32, %scan3A_33 : i32
      %scan3A_35 = arith.constant 1 : i32
      scf.for %scan3A_37 = %scan3A_32 to %scan3A_34 step %scan3A_35  : i32 {
        %mul3A_38 = arith.constant 2 : i32
        %mul3A_39 = arith.muli %scan3A_37, %mul3A_38 : i32
        %add3A_40 = arith.constant 0 : i32
        %add3A_41 = arith.addi %mul3A_39, %add3A_40 : i32
        %dma_wait3A = arith.constant 0 : i32
        %dma_wait3A_42 = tpu.memref_slice %arg7[%add3A_41, %dma_wait3A] : memref<40x128xi32, #tpu.memory_space<vmem>> -> memref<1x128xi32, #tpu.memory_space<vmem>>
        %dma_wait3A_43 = tpu.memref_squeeze %dma_wait3A_42 : memref<1x128xi32, #tpu.memory_space<vmem>> -> memref<128xi32, #tpu.memory_space<vmem>>
        %dma_wait3A_44 = arith.constant 0 : i32
        %dma_wait3A_45 = arith.constant 0 : i32
        %dma_wait3A_46 = tpu.memref_slice %arg2[%dma_wait3A_44, %dma_wait3A_45] : memref<10240x128xf32, #tpu.memory_space<hbm>> -> memref<10240x128xf32, #tpu.memory_space<hbm>>
        tpu.wait_indirect_dma semaphore(%arg11 : memref<!tpu.dma_semaphore, #tpu.memory_space<semaphore_mem>>) src(%dma_wait3A_46 : memref<10240x128xf32, #tpu.memory_space<hbm>>) dst(%arg9 : memref<128x128xf32, #tpu.memory_space<vmem>>)
        %dma_start3A_47 = arith.constant 0 : i32
        %dma_start3A_48 = tpu.memref_slice %arg8[%add3A_41, %dma_start3A_47] : memref<40x128xi32, #tpu.memory_space<vmem>> -> memref<1x128xi32, #tpu.memory_space<vmem>>
        %dma_start3A_49 = tpu.memref_squeeze %dma_start3A_48 : memref<1x128xi32, #tpu.memory_space<vmem>> -> memref<128xi32, #tpu.memory_space<vmem>>
        %dma_start3A_50 = arith.constant 0 : i32
        %dma_start3A_51 = arith.constant 0 : i32
        %dma_start3A_52 = tpu.memref_slice %arg15[%dma_start3A_50, %dma_start3A_51] : memref<10240x128xf32, #tpu.memory_space<vmem_shared>> -> memref<10240x128xf32, #tpu.memory_space<vmem_shared>>
        tpu.enqueue_indirect_dma source(%arg9 : memref<128x128xf32, #tpu.memory_space<vmem>>) target(%dma_start3A_52 : memref<10240x128xf32, #tpu.memory_space<vmem_shared>>) offsets(%dma_start3A_49 : memref<128xi32, #tpu.memory_space<vmem>>) semaphore(%arg13 : memref<!tpu.dma_semaphore, #tpu.memory_space<semaphore_mem>>) {add = true}
        %dma_wait3A_53 = arith.constant 0 : i32
        %dma_wait3A_54 = tpu.memref_slice %arg8[%add3A_41, %dma_wait3A_53] : memref<40x128xi32, #tpu.memory_space<vmem>> -> memref<1x128xi32, #tpu.memory_space<vmem>>
        %dma_wait3A_55 = tpu.memref_squeeze %dma_wait3A_54 : memref<1x128xi32, #tpu.memory_space<vmem>> -> memref<128xi32, #tpu.memory_space<vmem>>
        %dma_wait3A_56 = arith.constant 0 : i32
        %dma_wait3A_57 = arith.constant 0 : i32
        %dma_wait3A_58 = tpu.memref_slice %arg15[%dma_wait3A_56, %dma_wait3A_57] : memref<10240x128xf32, #tpu.memory_space<vmem_shared>> -> memref<10240x128xf32, #tpu.memory_space<vmem_shared>>
        tpu.wait_indirect_dma semaphore(%arg13 : memref<!tpu.dma_semaphore, #tpu.memory_space<semaphore_mem>>) src(%arg9 : memref<128x128xf32, #tpu.memory_space<vmem>>) dst(%dma_wait3A_58 : memref<10240x128xf32, #tpu.memory_space<vmem_shared>>)
        %add3A_59 = arith.constant 2 : i32
        %add3A_60 = arith.addi %add3A_41, %add3A_59 : i32
        %lt3A = arith.constant 40 : i32
        %lt3A_61 = arith.cmpi slt, %add3A_60, %lt3A : i32
        %convert_element_type3A = arith.extui %lt3A_61 : i1 to i32
        %cond3A = arith.constant 0 : i32
        %cond3A_62 = arith.cmpi ne, %convert_element_type3A, %cond3A : i32
        scf.if %cond3A_62 {
          %dma_start3A_92 = arith.constant 0 : i32
          %dma_start3A_93 = tpu.memref_slice %arg7[%add3A_60, %dma_start3A_92] : memref<40x128xi32, #tpu.memory_space<vmem>> -> memref<1x128xi32, #tpu.memory_space<vmem>>
          %dma_start3A_94 = tpu.memref_squeeze %dma_start3A_93 : memref<1x128xi32, #tpu.memory_space<vmem>> -> memref<128xi32, #tpu.memory_space<vmem>>
          %dma_start3A_95 = arith.constant 0 : i32
          %dma_start3A_96 = arith.constant 0 : i32
          %dma_start3A_97 = tpu.memref_slice %arg2[%dma_start3A_95, %dma_start3A_96] : memref<10240x128xf32, #tpu.memory_space<hbm>> -> memref<10240x128xf32, #tpu.memory_space<hbm>>
          tpu.enqueue_indirect_dma source(%dma_start3A_97 : memref<10240x128xf32, #tpu.memory_space<hbm>>) target(%arg9 : memref<128x128xf32, #tpu.memory_space<vmem>>) offsets(%dma_start3A_94 : memref<128xi32, #tpu.memory_space<vmem>>) semaphore(%arg11 : memref<!tpu.dma_semaphore, #tpu.memory_space<semaphore_mem>>)
        } else {
        }
        %mul3A_63 = arith.constant 2 : i32
        %mul3A_64 = arith.muli %scan3A_37, %mul3A_63 : i32
        %add3A_65 = arith.constant 1 : i32
        %add3A_66 = arith.addi %mul3A_64, %add3A_65 : i32
        %dma_wait3A_67 = arith.constant 0 : i32
        %dma_wait3A_68 = tpu.memref_slice %arg7[%add3A_66, %dma_wait3A_67] : memref<40x128xi32, #tpu.memory_space<vmem>> -> memref<1x128xi32, #tpu.memory_space<vmem>>
        %dma_wait3A_69 = tpu.memref_squeeze %dma_wait3A_68 : memref<1x128xi32, #tpu.memory_space<vmem>> -> memref<128xi32, #tpu.memory_space<vmem>>
        %dma_wait3A_70 = arith.constant 0 : i32
        %dma_wait3A_71 = arith.constant 0 : i32
        %dma_wait3A_72 = tpu.memref_slice %arg2[%dma_wait3A_70, %dma_wait3A_71] : memref<10240x128xf32, #tpu.memory_space<hbm>> -> memref<10240x128xf32, #tpu.memory_space<hbm>>
        tpu.wait_indirect_dma semaphore(%arg12 : memref<!tpu.dma_semaphore, #tpu.memory_space<semaphore_mem>>) src(%dma_wait3A_72 : memref<10240x128xf32, #tpu.memory_space<hbm>>) dst(%arg10 : memref<128x128xf32, #tpu.memory_space<vmem>>)
        %dma_start3A_73 = arith.constant 0 : i32
        %dma_start3A_74 = tpu.memref_slice %arg8[%add3A_66, %dma_start3A_73] : memref<40x128xi32, #tpu.memory_space<vmem>> -> memref<1x128xi32, #tpu.memory_space<vmem>>
        %dma_start3A_75 = tpu.memref_squeeze %dma_start3A_74 : memref<1x128xi32, #tpu.memory_space<vmem>> -> memref<128xi32, #tpu.memory_space<vmem>>
        %dma_start3A_76 = arith.constant 0 : i32
        %dma_start3A_77 = arith.constant 0 : i32
        %dma_start3A_78 = tpu.memref_slice %arg15[%dma_start3A_76, %dma_start3A_77] : memref<10240x128xf32, #tpu.memory_space<vmem_shared>> -> memref<10240x128xf32, #tpu.memory_space<vmem_shared>>
        tpu.enqueue_indirect_dma source(%arg10 : memref<128x128xf32, #tpu.memory_space<vmem>>) target(%dma_start3A_78 : memref<10240x128xf32, #tpu.memory_space<vmem_shared>>) offsets(%dma_start3A_75 : memref<128xi32, #tpu.memory_space<vmem>>) semaphore(%arg14 : memref<!tpu.dma_semaphore, #tpu.memory_space<semaphore_mem>>) {add = true}
        %dma_wait3A_79 = arith.constant 0 : i32
        %dma_wait3A_80 = tpu.memref_slice %arg8[%add3A_66, %dma_wait3A_79] : memref<40x128xi32, #tpu.memory_space<vmem>> -> memref<1x128xi32, #tpu.memory_space<vmem>>
        %dma_wait3A_81 = tpu.memref_squeeze %dma_wait3A_80 : memref<1x128xi32, #tpu.memory_space<vmem>> -> memref<128xi32, #tpu.memory_space<vmem>>
        %dma_wait3A_82 = arith.constant 0 : i32
        %dma_wait3A_83 = arith.constant 0 : i32
        %dma_wait3A_84 = tpu.memref_slice %arg15[%dma_wait3A_82, %dma_wait3A_83] : memref<10240x128xf32, #tpu.memory_space<vmem_shared>> -> memref<10240x128xf32, #tpu.memory_space<vmem_shared>>
        tpu.wait_indirect_dma semaphore(%arg14 : memref<!tpu.dma_semaphore, #tpu.memory_space<semaphore_mem>>) src(%arg10 : memref<128x128xf32, #tpu.memory_space<vmem>>) dst(%dma_wait3A_84 : memref<10240x128xf32, #tpu.memory_space<vmem_shared>>)
        %add3A_85 = arith.constant 2 : i32
        %add3A_86 = arith.addi %add3A_66, %add3A_85 : i32
        %lt3A_87 = arith.constant 40 : i32
        %lt3A_88 = arith.cmpi slt, %add3A_86, %lt3A_87 : i32
        %convert_element_type3A_89 = arith.extui %lt3A_88 : i1 to i32
        %cond3A_90 = arith.constant 0 : i32
        %cond3A_91 = arith.cmpi ne, %convert_element_type3A_89, %cond3A_90 : i32
        scf.if %cond3A_91 {
          %dma_start3A_92 = arith.constant 0 : i32
          %dma_start3A_93 = tpu.memref_slice %arg7[%add3A_86, %dma_start3A_92] : memref<40x128xi32, #tpu.memory_space<vmem>> -> memref<1x128xi32, #tpu.memory_space<vmem>>
          %dma_start3A_94 = tpu.memref_squeeze %dma_start3A_93 : memref<1x128xi32, #tpu.memory_space<vmem>> -> memref<128xi32, #tpu.memory_space<vmem>>
          %dma_start3A_95 = arith.constant 0 : i32
          %dma_start3A_96 = arith.constant 0 : i32
          %dma_start3A_97 = tpu.memref_slice %arg2[%dma_start3A_95, %dma_start3A_96] : memref<10240x128xf32, #tpu.memory_space<hbm>> -> memref<10240x128xf32, #tpu.memory_space<hbm>>
          tpu.enqueue_indirect_dma source(%dma_start3A_97 : memref<10240x128xf32, #tpu.memory_space<hbm>>) target(%arg10 : memref<128x128xf32, #tpu.memory_space<vmem>>) offsets(%dma_start3A_94 : memref<128xi32, #tpu.memory_space<vmem>>) semaphore(%arg12 : memref<!tpu.dma_semaphore, #tpu.memory_space<semaphore_mem>>)
        } else {
        }
      }
      %scan3A_36 = arith.constant 20 : i32
    }
    %scan3A_7 = arith.constant 2 : i32
    %barrier3A_8 = arith.constant 0 : index
    tpu.barrier barrier_id(%barrier3A_8)
    %mul3A_9 = arith.constant 640 : i32
    %mul3A_10 = arith.muli %arg1, %mul3A_9 : i32
    %mul3A_11 = arith.constant 640 : i32
    %mul3A_12 = arith.muli %arg1, %mul3A_11 : i32
    "tpu.region"() ({
      %run_scoped3A = tpu.sem_alloc : memref<!tpu.dma_semaphore, #tpu.memory_space<semaphore_mem>>
      %dma_start3A = arith.constant 0 : i32
      %dma_start3A_13 = tpu.memref_slice %arg6[%arg0, %mul3A_12, %dma_start3A] : memref<2x10240x128xf32, #tpu.memory_space<hbm>> -> memref<1x640x128xf32, #tpu.memory_space<hbm>>
      %dma_start3A_14 = tpu.memref_squeeze %dma_start3A_13 : memref<1x640x128xf32, #tpu.memory_space<hbm>> -> memref<640x128xf32, #tpu.memory_space<hbm>>
      %dma_start3A_15 = arith.constant 0 : i32
      %dma_start3A_16 = tpu.memref_slice %arg15[%mul3A_10, %dma_start3A_15] : memref<10240x128xf32, #tpu.memory_space<vmem_shared>> -> memref<640x128xf32, #tpu.memory_space<vmem_shared>>
      tpu.enqueue_dma source(%dma_start3A_16 : memref<640x128xf32, #tpu.memory_space<vmem_shared>>) target(%dma_start3A_14 : memref<640x128xf32, #tpu.memory_space<hbm>>) target_semaphore(%run_scoped3A : memref<!tpu.dma_semaphore, #tpu.memory_space<semaphore_mem>>)
      %dma_wait3A = arith.constant 0 : i32
      %dma_wait3A_17 = tpu.memref_slice %arg6[%arg0, %mul3A_12, %dma_wait3A] : memref<2x10240x128xf32, #tpu.memory_space<hbm>> -> memref<1x640x128xf32, #tpu.memory_space<hbm>>
      %dma_wait3A_18 = tpu.memref_squeeze %dma_wait3A_17 : memref<1x640x128xf32, #tpu.memory_space<hbm>> -> memref<640x128xf32, #tpu.memory_space<hbm>>
      %dma_wait3A_19 = arith.constant 0 : i32
      %dma_wait3A_20 = tpu.memref_slice %arg15[%mul3A_10, %dma_wait3A_19] : memref<10240x128xf32, #tpu.memory_space<vmem_shared>> -> memref<640x128xf32, #tpu.memory_space<vmem_shared>>
      tpu.wait_dma2 semaphore(%run_scoped3A : memref<!tpu.dma_semaphore, #tpu.memory_space<semaphore_mem>>) src(%dma_wait3A_20 : memref<640x128xf32, #tpu.memory_space<vmem_shared>>) dst(%dma_wait3A_18 : memref<640x128xf32, #tpu.memory_space<hbm>>)
      tpu.yield
    }) : () -> ()
    return
  }
}

module attributes {stable_mosaic.version = 14 : i64} {
  func.func @_tc_embed_body(%arg0: i32, %arg1: memref<1024x128xf32, #tpu.memory_space<vmem>>, %arg2: memref<1024x1xi32, #tpu.memory_space<vmem>>, %arg3: memref<8x32xf32, #tpu.memory_space<vmem>>, %arg4: memref<160x128xf32, #tpu.memory_space<vmem>>, %arg5: memref<1x128xf32, #tpu.memory_space<vmem>>, %arg6: memref<2x1024x16xf32, #tpu.memory_space<vmem>>, %arg7: memref<128x128xf32, #tpu.memory_space<vmem>>, %arg8: memref<1024x128xf32, #tpu.memory_space<vmem>>, %arg9: memref<1024x128xf32, #tpu.memory_space<vmem>>, %arg10: memref<1024x1xf32, #tpu.memory_space<vmem>>) attributes {dimension_semantics = [#tpu.dimension_semantics<arbitrary>], iteration_bounds = array<i64: 10>, scalar_prefetch = 0 : i64, scratch_operands = 0 : i64, tpu.core_type = #tpu.core_type<tc>, window_params = [{transform_indices = @transform_0, window_bounds = array<i64: 1024, 128>}, {transform_indices = @transform_1, window_bounds = array<i64: 1024, 1>}, {pipeline_mode = #tpu.pipeline_mode<synchronous>, transform_indices = @transform_2, window_bounds = array<i64: 8, 32>}, {pipeline_mode = #tpu.pipeline_mode<synchronous>, transform_indices = @transform_3, window_bounds = array<i64: 160, 128>}, {pipeline_mode = #tpu.pipeline_mode<synchronous>, transform_indices = @transform_4, window_bounds = array<i64: 1, 128>}, {transform_indices = @transform_5, window_bounds = array<i64: 2, 1024, 16>}, {pipeline_mode = #tpu.pipeline_mode<synchronous>, transform_indices = @transform_6, window_bounds = array<i64: 128, 128>}, {transform_indices = @transform_7, window_bounds = array<i64: 1024, 128>}, {transform_indices = @transform_8, window_bounds = array<i64: 1024, 128>}, {transform_indices = @transform_9, window_bounds = array<i64: 1024, 1>}]} {
    %get3A = arith.constant 0 : index
    %get3A_0 = arith.constant 0 : index
    %get3A_1 = vector.load %arg3[%get3A, %get3A_0] : memref<8x32xf32, #tpu.memory_space<vmem>>, vector<8x32xf32>
    %get3A_2 = arith.constant 128 : index
    %get3A_3 = arith.constant 0 : index
    %get3A_4 = vector.load %arg4[%get3A_2, %get3A_3] : memref<160x128xf32, #tpu.memory_space<vmem>>, vector<32x128xf32>
    %dot_general3A = arith.constant dense<0.000000e+00> : vector<8x128xf32>
    %dot_general3A_5 = tpu.matmul %get3A_1, %get3A_4, %dot_general3A {dimension_numbers = #tpu.dot_dimension_numbers<[1], [0], [0], [1], [0, 0, 1, 1], [], []>, transpose_lhs_hint = false} : vector<8x32xf32>, vector<32x128xf32>, vector<8x128xf32> -> vector<8x128xf32>
    %get3A_6 = arith.constant 0 : index
    %get3A_7 = arith.constant 0 : index
    %get3A_8 = vector.load %arg2[%get3A_6, %get3A_7] : memref<1024x1xi32, #tpu.memory_space<vmem>>, vector<1024x1xi32>
    %eq3A = arith.constant 0 : i32
    %eq3A_9 = vector.broadcast %eq3A : i32 to vector<1024x1xi32>
    %eq3A_10 = arith.cmpi eq, %get3A_8, %eq3A_9 : vector<1024x1xi32>
    %slice3A = vector.extract_strided_slice %dot_general3A_5 {offsets = [0, 0], sizes = [1, 128], strides = [1, 1]} : vector<8x128xf32> to vector<1x128xf32>
    %eq3A_11 = arith.constant 1 : i32
    %eq3A_12 = vector.broadcast %eq3A_11 : i32 to vector<1024x1xi32>
    %eq3A_13 = arith.cmpi eq, %get3A_8, %eq3A_12 : vector<1024x1xi32>
    %slice3A_14 = vector.extract_strided_slice %dot_general3A_5 {offsets = [1, 0], sizes = [1, 128], strides = [1, 1]} : vector<8x128xf32> to vector<1x128xf32>
    %slice3A_15 = vector.extract_strided_slice %dot_general3A_5 {offsets = [2, 0], sizes = [1, 128], strides = [1, 1]} : vector<8x128xf32> to vector<1x128xf32>
    %broadcast_in_dim3A = vector.shape_cast %eq3A_13 : vector<1024x1xi1> to vector<1024x1xi1>
    %broadcast_in_dim3A_16 = vector.broadcast %broadcast_in_dim3A : vector<1024x1xi1> to vector<1024x128xi1>
    %broadcast_in_dim3A_17 = vector.shape_cast %slice3A_14 : vector<1x128xf32> to vector<1x128xf32>
    %broadcast_in_dim3A_18 = vector.broadcast %broadcast_in_dim3A_17 : vector<1x128xf32> to vector<1024x128xf32>
    %broadcast_in_dim3A_19 = vector.shape_cast %slice3A_15 : vector<1x128xf32> to vector<1x128xf32>
    %broadcast_in_dim3A_20 = vector.broadcast %broadcast_in_dim3A_19 : vector<1x128xf32> to vector<1024x128xf32>
    %select_n3A = arith.select %broadcast_in_dim3A_16, %broadcast_in_dim3A_18, %broadcast_in_dim3A_20 : vector<1024x128xi1>, vector<1024x128xf32>
    %broadcast_in_dim3A_21 = vector.shape_cast %eq3A_10 : vector<1024x1xi1> to vector<1024x1xi1>
    %broadcast_in_dim3A_22 = vector.broadcast %broadcast_in_dim3A_21 : vector<1024x1xi1> to vector<1024x128xi1>
    %broadcast_in_dim3A_23 = vector.shape_cast %slice3A : vector<1x128xf32> to vector<1x128xf32>
    %broadcast_in_dim3A_24 = vector.broadcast %broadcast_in_dim3A_23 : vector<1x128xf32> to vector<1024x128xf32>
    %select_n3A_25 = arith.select %broadcast_in_dim3A_22, %broadcast_in_dim3A_24, %select_n3A : vector<1024x128xi1>, vector<1024x128xf32>
    %get3A_26 = arith.constant 0 : index
    %get3A_27 = arith.constant 0 : index
    %get3A_28 = vector.load %arg1[%get3A_26, %get3A_27] : memref<1024x128xf32, #tpu.memory_space<vmem>>, vector<1024x128xf32>
    %get3A_29 = arith.constant 0 : index
    %get3A_30 = arith.constant 0 : index
    %get3A_31 = vector.load %arg4[%get3A_29, %get3A_30] : memref<160x128xf32, #tpu.memory_space<vmem>>, vector<128x128xf32>
    %dot_general3A_32 = arith.constant dense<0.000000e+00> : vector<1024x128xf32>
    %dot_general3A_33 = tpu.matmul %get3A_28, %get3A_31, %dot_general3A_32 {dimension_numbers = #tpu.dot_dimension_numbers<[1], [0], [0], [1], [0, 0, 1, 1], [], []>, transpose_lhs_hint = false} : vector<1024x128xf32>, vector<128x128xf32>, vector<1024x128xf32> -> vector<1024x128xf32>
    %add3A = arith.addf %dot_general3A_33, %select_n3A_25 : vector<1024x128xf32>
    %get3A_34 = arith.constant 0 : index
    %get3A_35 = arith.constant 0 : index
    %get3A_36 = vector.load %arg5[%get3A_34, %get3A_35] : memref<1x128xf32, #tpu.memory_space<vmem>>, vector<1x128xf32>
    %add3A_37 = vector.broadcast %get3A_36 : vector<1x128xf32> to vector<1024x128xf32>
    %add3A_38 = arith.addf %add3A, %add3A_37 : vector<1024x128xf32>
    %max3A = arith.constant 0.000000e+00 : f32
    %max3A_39 = vector.broadcast %max3A : f32 to vector<1024x128xf32>
    %max3A_40 = arith.maximumf %add3A_38, %max3A_39 : vector<1024x128xf32>
    %get3A_41 = arith.constant 0 : index
    %get3A_42 = arith.constant 0 : index
    %get3A_43 = arith.constant 0 : index
    %get3A_44 = vector.load %arg6[%get3A_41, %get3A_42, %get3A_43] : memref<2x1024x16xf32, #tpu.memory_space<vmem>>, vector<2x1024x16xf32>
    %slice3A_45 = vector.extract_strided_slice %get3A_44 {offsets = [0, 0, 0], sizes = [1, 1024, 1], strides = [1, 1, 1]} : vector<2x1024x16xf32> to vector<1x1024x1xf32>
    %squeeze3A = vector.shape_cast %slice3A_45 : vector<1x1024x1xf32> to vector<1024x1xf32>
    %slice3A_46 = vector.extract_strided_slice %get3A_44 {offsets = [1, 0, 0], sizes = [1, 1024, 1], strides = [1, 1, 1]} : vector<2x1024x16xf32> to vector<1x1024x1xf32>
    %squeeze3A_47 = vector.shape_cast %slice3A_46 : vector<1x1024x1xf32> to vector<1024x1xf32>
    %add3A_48 = arith.addf %squeeze3A, %squeeze3A_47 : vector<1024x1xf32>
    %add3A_49 = arith.constant 1.000000e+00 : f32
    %add3A_50 = vector.broadcast %add3A_49 : f32 to vector<1024x1xf32>
    %add3A_51 = arith.addf %add3A_48, %add3A_50 : vector<1024x1xf32>
    %rsqrt3A = math.rsqrt %add3A_51 : vector<1024x1xf32>
    %swap3A = arith.constant 0 : index
    %swap3A_52 = arith.constant 0 : index
    %swap3A_53 = vector.load %arg8[%swap3A, %swap3A_52] : memref<1024x128xf32, #tpu.memory_space<vmem>>, vector<1024x128xf32>
    tpu.vector_store %arg8[%swap3A, %swap3A_52], %max3A_40 {strides = array<i32>} : memref<1024x128xf32, #tpu.memory_space<vmem>>, vector<1024x128xf32>,
    %get3A_54 = arith.constant 0 : index
    %get3A_55 = arith.constant 0 : index
    %get3A_56 = vector.load %arg7[%get3A_54, %get3A_55] : memref<128x128xf32, #tpu.memory_space<vmem>>, vector<128x128xf32>
    %dot_general3A_57 = arith.constant dense<0.000000e+00> : vector<1024x128xf32>
    %dot_general3A_58 = tpu.matmul %max3A_40, %get3A_56, %dot_general3A_57 {dimension_numbers = #tpu.dot_dimension_numbers<[1], [0], [0], [1], [0, 0, 1, 1], [], []>, transpose_lhs_hint = false} : vector<1024x128xf32>, vector<128x128xf32>, vector<1024x128xf32> -> vector<1024x128xf32>
    %mul3A = vector.broadcast %rsqrt3A : vector<1024x1xf32> to vector<1024x128xf32>
    %mul3A_59 = arith.mulf %mul3A, %dot_general3A_58 : vector<1024x128xf32>
    %swap3A_60 = arith.constant 0 : index
    %swap3A_61 = arith.constant 0 : index
    %swap3A_62 = vector.load %arg9[%swap3A_60, %swap3A_61] : memref<1024x128xf32, #tpu.memory_space<vmem>>, vector<1024x128xf32>
    tpu.vector_store %arg9[%swap3A_60, %swap3A_61], %mul3A_59 {strides = array<i32>} : memref<1024x128xf32, #tpu.memory_space<vmem>>, vector<1024x128xf32>,
    %swap3A_63 = arith.constant 0 : index
    %swap3A_64 = arith.constant 0 : index
    %swap3A_65 = vector.load %arg10[%swap3A_63, %swap3A_64] : memref<1024x1xf32, #tpu.memory_space<vmem>>, vector<1024x1xf32>
    tpu.vector_store %arg10[%swap3A_63, %swap3A_64], %rsqrt3A {strides = array<i32>} : memref<1024x1xf32, #tpu.memory_space<vmem>>, vector<1024x1xf32>,
    return
  }
  func.func @transform_0(%arg0: i32) -> (i32, i32) {
    %c0_i32 = arith.constant 0 : i32
    %c0_i32_0 = arith.constant 0 : i32
    return %arg0, %c0_i32 : i32, i32
  }
  func.func @transform_1(%arg0: i32) -> (i32, i32) {
    %c0_i32 = arith.constant 0 : i32
    %c0_i32_0 = arith.constant 0 : i32
    return %arg0, %c0_i32 : i32, i32
  }
  func.func @transform_2(%arg0: i32) -> (i32, i32) {
    %c0_i32 = arith.constant 0 : i32
    %c0_i32_0 = arith.constant 0 : i32
    %c0_i32_1 = arith.constant 0 : i32
    return %c0_i32, %c0_i32_0 : i32, i32
  }
  func.func @transform_3(%arg0: i32) -> (i32, i32) {
    %c0_i32 = arith.constant 0 : i32
    %c0_i32_0 = arith.constant 0 : i32
    %c0_i32_1 = arith.constant 0 : i32
    return %c0_i32, %c0_i32_0 : i32, i32
  }
  func.func @transform_4(%arg0: i32) -> (i32, i32) {
    %c0_i32 = arith.constant 0 : i32
    %c0_i32_0 = arith.constant 0 : i32
    %c0_i32_1 = arith.constant 0 : i32
    return %c0_i32, %c0_i32_0 : i32, i32
  }
  func.func @transform_5(%arg0: i32) -> (i32, i32, i32) {
    %c0_i32 = arith.constant 0 : i32
    %c0_i32_0 = arith.constant 0 : i32
    %c0_i32_1 = arith.constant 0 : i32
    return %c0_i32, %arg0, %c0_i32_0 : i32, i32, i32
  }
  func.func @transform_6(%arg0: i32) -> (i32, i32) {
    %c0_i32 = arith.constant 0 : i32
    %c0_i32_0 = arith.constant 0 : i32
    %c0_i32_1 = arith.constant 0 : i32
    return %c0_i32, %c0_i32_0 : i32, i32
  }
  func.func @transform_7(%arg0: i32) -> (i32, i32) {
    %c0_i32 = arith.constant 0 : i32
    %c0_i32_0 = arith.constant 0 : i32
    return %arg0, %c0_i32 : i32, i32
  }
  func.func @transform_8(%arg0: i32) -> (i32, i32) {
    %c0_i32 = arith.constant 0 : i32
    %c0_i32_0 = arith.constant 0 : i32
    return %arg0, %c0_i32 : i32, i32
  }
  func.func @transform_9(%arg0: i32) -> (i32, i32) {
    %c0_i32 = arith.constant 0 : i32
    %c0_i32_0 = arith.constant 0 : i32
    return %arg0, %c0_i32 : i32, i32
  }
}

module attributes {stable_mosaic.version = 14 : i64} {
  func.func @_tc_mid_body(%arg0: i32, %arg1: memref<2x1024x128xf32, #tpu.memory_space<vmem>>, %arg2: memref<1024x128xf32, #tpu.memory_space<vmem>>, %arg3: memref<1024x128xf32, #tpu.memory_space<vmem>>, %arg4: memref<1024x1xf32, #tpu.memory_space<vmem>>, %arg5: memref<1x128xf32, #tpu.memory_space<vmem>>, %arg6: memref<1x128xf32, #tpu.memory_space<vmem>>, %arg7: memref<1x128xf32, #tpu.memory_space<vmem>>, %arg8: memref<128x128xf32, #tpu.memory_space<vmem>>, %arg9: memref<1024x128xf32, #tpu.memory_space<vmem>>, %arg10: memref<1024x128xf32, #tpu.memory_space<vmem>>) attributes {dimension_semantics = [#tpu.dimension_semantics<arbitrary>], iteration_bounds = array<i64: 10>, scalar_prefetch = 0 : i64, scratch_operands = 0 : i64, tpu.core_type = #tpu.core_type<tc>, window_params = [{transform_indices = @transform_0, window_bounds = array<i64: 2, 1024, 128>}, {transform_indices = @transform_1, window_bounds = array<i64: 1024, 128>}, {transform_indices = @transform_2, window_bounds = array<i64: 1024, 128>}, {transform_indices = @transform_3, window_bounds = array<i64: 1024, 1>}, {pipeline_mode = #tpu.pipeline_mode<synchronous>, transform_indices = @transform_4, window_bounds = array<i64: 1, 128>}, {pipeline_mode = #tpu.pipeline_mode<synchronous>, transform_indices = @transform_5, window_bounds = array<i64: 1, 128>}, {pipeline_mode = #tpu.pipeline_mode<synchronous>, transform_indices = @transform_6, window_bounds = array<i64: 1, 128>}, {pipeline_mode = #tpu.pipeline_mode<synchronous>, transform_indices = @transform_7, window_bounds = array<i64: 128, 128>}, {transform_indices = @transform_8, window_bounds = array<i64: 1024, 128>}, {transform_indices = @transform_9, window_bounds = array<i64: 1024, 128>}]} {
    %get3A = arith.constant 0 : index
    %get3A_0 = arith.constant 0 : index
    %get3A_1 = arith.constant 0 : index
    %get3A_2 = vector.load %arg1[%get3A, %get3A_0, %get3A_1] : memref<2x1024x128xf32, #tpu.memory_space<vmem>>, vector<2x1024x128xf32>
    %get3A_3 = arith.constant 0 : index
    %get3A_4 = arith.constant 0 : index
    %get3A_5 = vector.load %arg4[%get3A_3, %get3A_4] : memref<1024x1xf32, #tpu.memory_space<vmem>>, vector<1024x1xf32>
    %slice3A = vector.extract_strided_slice %get3A_2 {offsets = [0, 0, 0], sizes = [1, 1024, 128], strides = [1, 1, 1]} : vector<2x1024x128xf32> to vector<1x1024x128xf32>
    %squeeze3A = vector.shape_cast %slice3A : vector<1x1024x128xf32> to vector<1024x128xf32>
    %slice3A_6 = vector.extract_strided_slice %get3A_2 {offsets = [1, 0, 0], sizes = [1, 1024, 128], strides = [1, 1, 1]} : vector<2x1024x128xf32> to vector<1x1024x128xf32>
    %squeeze3A_7 = vector.shape_cast %slice3A_6 : vector<1x1024x128xf32> to vector<1024x128xf32>
    %add3A = arith.addf %squeeze3A, %squeeze3A_7 : vector<1024x128xf32>
    %get3A_8 = arith.constant 0 : index
    %get3A_9 = arith.constant 0 : index
    %get3A_10 = vector.load %arg2[%get3A_8, %get3A_9] : memref<1024x128xf32, #tpu.memory_space<vmem>>, vector<1024x128xf32>
    %add3A_11 = arith.addf %add3A, %get3A_10 : vector<1024x128xf32>
    %mul3A = vector.broadcast %get3A_5 : vector<1024x1xf32> to vector<1024x128xf32>
    %mul3A_12 = arith.mulf %mul3A, %add3A_11 : vector<1024x128xf32>
    %get3A_13 = arith.constant 0 : index
    %get3A_14 = arith.constant 0 : index
    %get3A_15 = vector.load %arg5[%get3A_13, %get3A_14] : memref<1x128xf32, #tpu.memory_space<vmem>>, vector<1x128xf32>
    %add3A_16 = vector.broadcast %get3A_15 : vector<1x128xf32> to vector<1024x128xf32>
    %add3A_17 = arith.addf %mul3A_12, %add3A_16 : vector<1024x128xf32>
    %get3A_18 = arith.constant 0 : index
    %get3A_19 = arith.constant 0 : index
    %get3A_20 = vector.load %arg6[%get3A_18, %get3A_19] : memref<1x128xf32, #tpu.memory_space<vmem>>, vector<1x128xf32>
    %get3A_21 = arith.constant 0 : index
    %get3A_22 = arith.constant 0 : index
    %get3A_23 = vector.load %arg7[%get3A_21, %get3A_22] : memref<1x128xf32, #tpu.memory_space<vmem>>, vector<1x128xf32>
    %reduce_sum3A = arith.constant dense<0.000000e+00> : vector<1024xf32>
    %reduce_sum3A_24 = vector.multi_reduction <add>, %add3A_17, %reduce_sum3A [1] : vector<1024x128xf32> to vector<1024xf32>
    %broadcast_in_dim3A = vector.shape_cast %reduce_sum3A_24 : vector<1024xf32> to vector<1024x1xf32>
    %div3A = arith.constant 1.280000e+02 : f32
    %div3A_25 = vector.broadcast %div3A : f32 to vector<1024x1xf32>
    %div3A_26 = arith.divf %broadcast_in_dim3A, %div3A_25 : vector<1024x1xf32>
    %sub3A = vector.broadcast %div3A_26 : vector<1024x1xf32> to vector<1024x128xf32>
    %sub3A_27 = arith.subf %add3A_17, %sub3A : vector<1024x128xf32>
    %integer_pow3A = arith.mulf %sub3A_27, %sub3A_27 : vector<1024x128xf32>
    %reduce_sum3A_28 = arith.constant dense<0.000000e+00> : vector<1024xf32>
    %reduce_sum3A_29 = vector.multi_reduction <add>, %integer_pow3A, %reduce_sum3A_28 [1] : vector<1024x128xf32> to vector<1024xf32>
    %broadcast_in_dim3A_30 = vector.shape_cast %reduce_sum3A_29 : vector<1024xf32> to vector<1024x1xf32>
    %div3A_31 = arith.constant 1.280000e+02 : f32
    %div3A_32 = vector.broadcast %div3A_31 : f32 to vector<1024x1xf32>
    %div3A_33 = arith.divf %broadcast_in_dim3A_30, %div3A_32 : vector<1024x1xf32>
    %sub3A_34 = vector.broadcast %div3A_26 : vector<1024x1xf32> to vector<1024x128xf32>
    %sub3A_35 = arith.subf %add3A_17, %sub3A_34 : vector<1024x128xf32>
    %add3A_36 = arith.constant 9.99999974E-6 : f32
    %add3A_37 = vector.broadcast %add3A_36 : f32 to vector<1024x1xf32>
    %add3A_38 = arith.addf %div3A_33, %add3A_37 : vector<1024x1xf32>
    %rsqrt3A = math.rsqrt %add3A_38 : vector<1024x1xf32>
    %mul3A_39 = vector.broadcast %rsqrt3A : vector<1024x1xf32> to vector<1024x128xf32>
    %mul3A_40 = arith.mulf %sub3A_35, %mul3A_39 : vector<1024x128xf32>
    %mul3A_41 = vector.broadcast %get3A_20 : vector<1x128xf32> to vector<1024x128xf32>
    %mul3A_42 = arith.mulf %mul3A_40, %mul3A_41 : vector<1024x128xf32>
    %add3A_43 = vector.broadcast %get3A_23 : vector<1x128xf32> to vector<1024x128xf32>
    %add3A_44 = arith.addf %mul3A_42, %add3A_43 : vector<1024x128xf32>
    %max3A = arith.constant 0.000000e+00 : f32
    %max3A_45 = vector.broadcast %max3A : f32 to vector<1024x128xf32>
    %max3A_46 = arith.maximumf %add3A_44, %max3A_45 : vector<1024x128xf32>
    %get3A_47 = arith.constant 0 : index
    %get3A_48 = arith.constant 0 : index
    %get3A_49 = vector.load %arg3[%get3A_47, %get3A_48] : memref<1024x128xf32, #tpu.memory_space<vmem>>, vector<1024x128xf32>
    %add3A_50 = arith.addf %max3A_46, %get3A_49 : vector<1024x128xf32>
    %swap3A = arith.constant 0 : index
    %swap3A_51 = arith.constant 0 : index
    %swap3A_52 = vector.load %arg9[%swap3A, %swap3A_51] : memref<1024x128xf32, #tpu.memory_space<vmem>>, vector<1024x128xf32>
    tpu.vector_store %arg9[%swap3A, %swap3A_51], %add3A_50 {strides = array<i32>} : memref<1024x128xf32, #tpu.memory_space<vmem>>, vector<1024x128xf32>,
    %get3A_53 = arith.constant 0 : index
    %get3A_54 = arith.constant 0 : index
    %get3A_55 = vector.load %arg8[%get3A_53, %get3A_54] : memref<128x128xf32, #tpu.memory_space<vmem>>, vector<128x128xf32>
    %dot_general3A = arith.constant dense<0.000000e+00> : vector<1024x128xf32>
    %dot_general3A_56 = tpu.matmul %add3A_50, %get3A_55, %dot_general3A {dimension_numbers = #tpu.dot_dimension_numbers<[1], [0], [0], [1], [0, 0, 1, 1], [], []>, transpose_lhs_hint = false} : vector<1024x128xf32>, vector<128x128xf32>, vector<1024x128xf32> -> vector<1024x128xf32>
    %mul3A_57 = vector.broadcast %get3A_5 : vector<1024x1xf32> to vector<1024x128xf32>
    %mul3A_58 = arith.mulf %mul3A_57, %dot_general3A_56 : vector<1024x128xf32>
    %swap3A_59 = arith.constant 0 : index
    %swap3A_60 = arith.constant 0 : index
    %swap3A_61 = vector.load %arg10[%swap3A_59, %swap3A_60] : memref<1024x128xf32, #tpu.memory_space<vmem>>, vector<1024x128xf32>
    tpu.vector_store %arg10[%swap3A_59, %swap3A_60], %mul3A_58 {strides = array<i32>} : memref<1024x128xf32, #tpu.memory_space<vmem>>, vector<1024x128xf32>,
    return
  }
  func.func @transform_0(%arg0: i32) -> (i32, i32, i32) {
    %c0_i32 = arith.constant 0 : i32
    %c0_i32_0 = arith.constant 0 : i32
    %c0_i32_1 = arith.constant 0 : i32
    return %c0_i32, %arg0, %c0_i32_0 : i32, i32, i32
  }
  func.func @transform_1(%arg0: i32) -> (i32, i32) {
    %c0_i32 = arith.constant 0 : i32
    %c0_i32_0 = arith.constant 0 : i32
    return %arg0, %c0_i32 : i32, i32
  }
  func.func @transform_2(%arg0: i32) -> (i32, i32) {
    %c0_i32 = arith.constant 0 : i32
    %c0_i32_0 = arith.constant 0 : i32
    return %arg0, %c0_i32 : i32, i32
  }
  func.func @transform_3(%arg0: i32) -> (i32, i32) {
    %c0_i32 = arith.constant 0 : i32
    %c0_i32_0 = arith.constant 0 : i32
    return %arg0, %c0_i32 : i32, i32
  }
  func.func @transform_4(%arg0: i32) -> (i32, i32) {
    %c0_i32 = arith.constant 0 : i32
    %c0_i32_0 = arith.constant 0 : i32
    %c0_i32_1 = arith.constant 0 : i32
    return %c0_i32, %c0_i32_0 : i32, i32
  }
  func.func @transform_5(%arg0: i32) -> (i32, i32) {
    %c0_i32 = arith.constant 0 : i32
    %c0_i32_0 = arith.constant 0 : i32
    %c0_i32_1 = arith.constant 0 : i32
    return %c0_i32, %c0_i32_0 : i32, i32
  }
  func.func @transform_6(%arg0: i32) -> (i32, i32) {
    %c0_i32 = arith.constant 0 : i32
    %c0_i32_0 = arith.constant 0 : i32
    %c0_i32_1 = arith.constant 0 : i32
    return %c0_i32, %c0_i32_0 : i32, i32
  }
  func.func @transform_7(%arg0: i32) -> (i32, i32) {
    %c0_i32 = arith.constant 0 : i32
    %c0_i32_0 = arith.constant 0 : i32
    %c0_i32_1 = arith.constant 0 : i32
    return %c0_i32, %c0_i32_0 : i32, i32
  }
  func.func @transform_8(%arg0: i32) -> (i32, i32) {
    %c0_i32 = arith.constant 0 : i32
    %c0_i32_0 = arith.constant 0 : i32
    return %arg0, %c0_i32 : i32, i32
  }
  func.func @transform_9(%arg0: i32) -> (i32, i32) {
    %c0_i32 = arith.constant 0 : i32
    %c0_i32_0 = arith.constant 0 : i32
    return %arg0, %c0_i32 : i32, i32
  }
}

module attributes {stable_mosaic.version = 14 : i64} {
  func.func @_tc_final_body(%arg0: i32, %arg1: memref<2x1024x128xf32, #tpu.memory_space<vmem>>, %arg2: memref<1024x128xf32, #tpu.memory_space<vmem>>, %arg3: memref<1024x128xf32, #tpu.memory_space<vmem>>, %arg4: memref<1024x1xf32, #tpu.memory_space<vmem>>, %arg5: memref<1x128xf32, #tpu.memory_space<vmem>>, %arg6: memref<1x128xf32, #tpu.memory_space<vmem>>, %arg7: memref<1x128xf32, #tpu.memory_space<vmem>>, %arg8: memref<128x128xf32, #tpu.memory_space<vmem>>, %arg9: memref<1x128xf32, #tpu.memory_space<vmem>>, %arg10: memref<1x128xf32, #tpu.memory_space<vmem>>, %arg11: memref<1x128xf32, #tpu.memory_space<vmem>>) attributes {dimension_semantics = [#tpu.dimension_semantics<arbitrary>], iteration_bounds = array<i64: 10>, scalar_prefetch = 0 : i64, scratch_operands = 1 : i64, tpu.core_type = #tpu.core_type<tc>, window_params = [{transform_indices = @transform_0, window_bounds = array<i64: 2, 1024, 128>}, {transform_indices = @transform_1, window_bounds = array<i64: 1024, 128>}, {transform_indices = @transform_2, window_bounds = array<i64: 1024, 128>}, {transform_indices = @transform_3, window_bounds = array<i64: 1024, 1>}, {pipeline_mode = #tpu.pipeline_mode<synchronous>, transform_indices = @transform_4, window_bounds = array<i64: 1, 128>}, {pipeline_mode = #tpu.pipeline_mode<synchronous>, transform_indices = @transform_5, window_bounds = array<i64: 1, 128>}, {pipeline_mode = #tpu.pipeline_mode<synchronous>, transform_indices = @transform_6, window_bounds = array<i64: 1, 128>}, {pipeline_mode = #tpu.pipeline_mode<synchronous>, transform_indices = @transform_7, window_bounds = array<i64: 128, 128>}, {pipeline_mode = #tpu.pipeline_mode<synchronous>, transform_indices = @transform_8, window_bounds = array<i64: 1, 128>}, {pipeline_mode = #tpu.pipeline_mode<synchronous>, transform_indices = @transform_9, window_bounds = array<i64: 1, 128>}]} {
    %get3A = arith.constant 0 : index
    %get3A_0 = arith.constant 0 : index
    %get3A_1 = arith.constant 0 : index
    %get3A_2 = vector.load %arg1[%get3A, %get3A_0, %get3A_1] : memref<2x1024x128xf32, #tpu.memory_space<vmem>>, vector<2x1024x128xf32>
    %get3A_3 = arith.constant 0 : index
    %get3A_4 = arith.constant 0 : index
    %get3A_5 = vector.load %arg4[%get3A_3, %get3A_4] : memref<1024x1xf32, #tpu.memory_space<vmem>>, vector<1024x1xf32>
    %slice3A = vector.extract_strided_slice %get3A_2 {offsets = [0, 0, 0], sizes = [1, 1024, 128], strides = [1, 1, 1]} : vector<2x1024x128xf32> to vector<1x1024x128xf32>
    %squeeze3A = vector.shape_cast %slice3A : vector<1x1024x128xf32> to vector<1024x128xf32>
    %slice3A_6 = vector.extract_strided_slice %get3A_2 {offsets = [1, 0, 0], sizes = [1, 1024, 128], strides = [1, 1, 1]} : vector<2x1024x128xf32> to vector<1x1024x128xf32>
    %squeeze3A_7 = vector.shape_cast %slice3A_6 : vector<1x1024x128xf32> to vector<1024x128xf32>
    %add3A = arith.addf %squeeze3A, %squeeze3A_7 : vector<1024x128xf32>
    %get3A_8 = arith.constant 0 : index
    %get3A_9 = arith.constant 0 : index
    %get3A_10 = vector.load %arg2[%get3A_8, %get3A_9] : memref<1024x128xf32, #tpu.memory_space<vmem>>, vector<1024x128xf32>
    %add3A_11 = arith.addf %add3A, %get3A_10 : vector<1024x128xf32>
    %mul3A = vector.broadcast %get3A_5 : vector<1024x1xf32> to vector<1024x128xf32>
    %mul3A_12 = arith.mulf %mul3A, %add3A_11 : vector<1024x128xf32>
    %get3A_13 = arith.constant 0 : index
    %get3A_14 = arith.constant 0 : index
    %get3A_15 = vector.load %arg5[%get3A_13, %get3A_14] : memref<1x128xf32, #tpu.memory_space<vmem>>, vector<1x128xf32>
    %add3A_16 = vector.broadcast %get3A_15 : vector<1x128xf32> to vector<1024x128xf32>
    %add3A_17 = arith.addf %mul3A_12, %add3A_16 : vector<1024x128xf32>
    %get3A_18 = arith.constant 0 : index
    %get3A_19 = arith.constant 0 : index
    %get3A_20 = vector.load %arg6[%get3A_18, %get3A_19] : memref<1x128xf32, #tpu.memory_space<vmem>>, vector<1x128xf32>
    %get3A_21 = arith.constant 0 : index
    %get3A_22 = arith.constant 0 : index
    %get3A_23 = vector.load %arg7[%get3A_21, %get3A_22] : memref<1x128xf32, #tpu.memory_space<vmem>>, vector<1x128xf32>
    %reduce_sum3A = arith.constant dense<0.000000e+00> : vector<1024xf32>
    %reduce_sum3A_24 = vector.multi_reduction <add>, %add3A_17, %reduce_sum3A [1] : vector<1024x128xf32> to vector<1024xf32>
    %broadcast_in_dim3A = vector.shape_cast %reduce_sum3A_24 : vector<1024xf32> to vector<1024x1xf32>
    %div3A = arith.constant 1.280000e+02 : f32
    %div3A_25 = vector.broadcast %div3A : f32 to vector<1024x1xf32>
    %div3A_26 = arith.divf %broadcast_in_dim3A, %div3A_25 : vector<1024x1xf32>
    %sub3A = vector.broadcast %div3A_26 : vector<1024x1xf32> to vector<1024x128xf32>
    %sub3A_27 = arith.subf %add3A_17, %sub3A : vector<1024x128xf32>
    %integer_pow3A = arith.mulf %sub3A_27, %sub3A_27 : vector<1024x128xf32>
    %reduce_sum3A_28 = arith.constant dense<0.000000e+00> : vector<1024xf32>
    %reduce_sum3A_29 = vector.multi_reduction <add>, %integer_pow3A, %reduce_sum3A_28 [1] : vector<1024x128xf32> to vector<1024xf32>
    %broadcast_in_dim3A_30 = vector.shape_cast %reduce_sum3A_29 : vector<1024xf32> to vector<1024x1xf32>
    %div3A_31 = arith.constant 1.280000e+02 : f32
    %div3A_32 = vector.broadcast %div3A_31 : f32 to vector<1024x1xf32>
    %div3A_33 = arith.divf %broadcast_in_dim3A_30, %div3A_32 : vector<1024x1xf32>
    %sub3A_34 = vector.broadcast %div3A_26 : vector<1024x1xf32> to vector<1024x128xf32>
    %sub3A_35 = arith.subf %add3A_17, %sub3A_34 : vector<1024x128xf32>
    %add3A_36 = arith.constant 9.99999974E-6 : f32
    %add3A_37 = vector.broadcast %add3A_36 : f32 to vector<1024x1xf32>
    %add3A_38 = arith.addf %div3A_33, %add3A_37 : vector<1024x1xf32>
    %rsqrt3A = math.rsqrt %add3A_38 : vector<1024x1xf32>
    %mul3A_39 = vector.broadcast %rsqrt3A : vector<1024x1xf32> to vector<1024x128xf32>
    %mul3A_40 = arith.mulf %sub3A_35, %mul3A_39 : vector<1024x128xf32>
    %mul3A_41 = vector.broadcast %get3A_20 : vector<1x128xf32> to vector<1024x128xf32>
    %mul3A_42 = arith.mulf %mul3A_40, %mul3A_41 : vector<1024x128xf32>
    %add3A_43 = vector.broadcast %get3A_23 : vector<1x128xf32> to vector<1024x128xf32>
    %add3A_44 = arith.addf %mul3A_42, %add3A_43 : vector<1024x128xf32>
    %max3A = arith.constant 0.000000e+00 : f32
    %max3A_45 = vector.broadcast %max3A : f32 to vector<1024x128xf32>
    %max3A_46 = arith.maximumf %add3A_44, %max3A_45 : vector<1024x128xf32>
    %get3A_47 = arith.constant 0 : index
    %get3A_48 = arith.constant 0 : index
    %get3A_49 = vector.load %arg3[%get3A_47, %get3A_48] : memref<1024x128xf32, #tpu.memory_space<vmem>>, vector<1024x128xf32>
    %add3A_50 = arith.addf %max3A_46, %get3A_49 : vector<1024x128xf32>
    %iota3A = tpu.iota {dimensions = array<i32: 0>} : vector<1024x1xi32>
    %mul3A_51 = arith.constant 1024 : i32
    %mul3A_52 = arith.muli %arg0, %mul3A_51 : i32
    %add3A_53 = vector.broadcast %mul3A_52 : i32 to vector<1024x1xi32>
    %add3A_54 = arith.addi %iota3A, %add3A_53 : vector<1024x1xi32>
    %lt3A = arith.constant 10000 : i32
    %lt3A_55 = vector.broadcast %lt3A : i32 to vector<1024x1xi32>
    %lt3A_56 = arith.cmpi slt, %add3A_54, %lt3A_55 : vector<1024x1xi32>
    %jit3A = arith.constant 0.000000e+00 : f32
    %broadcast_in_dim3A_57 = vector.shape_cast %lt3A_56 : vector<1024x1xi1> to vector<1024x1xi1>
    %broadcast_in_dim3A_58 = vector.broadcast %broadcast_in_dim3A_57 : vector<1024x1xi1> to vector<1024x128xi1>
    %broadcast_in_dim3A_59 = vector.broadcast %jit3A : f32 to vector<1024x128xf32>
    %select_n3A = arith.select %broadcast_in_dim3A_58, %add3A_50, %broadcast_in_dim3A_59 : vector<1024x128xi1>, vector<1024x128xf32>
    %eq3A = arith.constant 0 : i32
    %eq3A_60 = arith.cmpi eq, %arg0, %eq3A : i32
    %convert_element_type3A = arith.extui %eq3A_60 : i1 to i32
    %cond3A = arith.constant 0 : i32
    %cond3A_61 = arith.cmpi ne, %convert_element_type3A, %cond3A : i32
    scf.if %cond3A_61 {
      %broadcast_in_dim3A_76 = arith.constant 0.000000e+00 : f32
      %broadcast_in_dim3A_77 = vector.broadcast %broadcast_in_dim3A_76 : f32 to vector<1x128xf32>
      %swap3A_78 = arith.constant 0 : index
      %swap3A_79 = arith.constant 0 : index
      %swap3A_80 = vector.load %arg11[%swap3A_78, %swap3A_79] : memref<1x128xf32, #tpu.memory_space<vmem>>, vector<1x128xf32>
      tpu.vector_store %arg11[%swap3A_78, %swap3A_79], %broadcast_in_dim3A_77 {strides = array<i32>} : memref<1x128xf32, #tpu.memory_space<vmem>>, vector<1x128xf32>,
    } else {
    }
    %get3A_62 = arith.constant 0 : index
    %get3A_63 = arith.constant 0 : index
    %get3A_64 = vector.load %arg11[%get3A_62, %get3A_63] : memref<1x128xf32, #tpu.memory_space<vmem>>, vector<1x128xf32>
    %reduce_sum3A_65 = arith.constant dense<0.000000e+00> : vector<128xf32>
    %reduce_sum3A_66 = vector.multi_reduction <add>, %select_n3A, %reduce_sum3A_65 [0] : vector<1024x128xf32> to vector<128xf32>
    %broadcast_in_dim3A_67 = vector.shape_cast %reduce_sum3A_66 : vector<128xf32> to vector<1x128xf32>
    %add3A_68 = arith.addf %get3A_64, %broadcast_in_dim3A_67 : vector<1x128xf32>
    %swap3A = arith.constant 0 : index
    %swap3A_69 = arith.constant 0 : index
    %swap3A_70 = vector.load %arg11[%swap3A, %swap3A_69] : memref<1x128xf32, #tpu.memory_space<vmem>>, vector<1x128xf32>
    tpu.vector_store %arg11[%swap3A, %swap3A_69], %add3A_68 {strides = array<i32>} : memref<1x128xf32, #tpu.memory_space<vmem>>, vector<1x128xf32>,
    %eq3A_71 = arith.constant 9 : i32
    %eq3A_72 = arith.cmpi eq, %arg0, %eq3A_71 : i32
    %convert_element_type3A_73 = arith.extui %eq3A_72 : i1 to i32
    %cond3A_74 = arith.constant 0 : i32
    %cond3A_75 = arith.cmpi ne, %convert_element_type3A_73, %cond3A_74 : i32
    scf.if %cond3A_75 {
      %get3A_76 = arith.constant 0 : index
      %get3A_77 = arith.constant 0 : index
      %get3A_78 = vector.load %arg11[%get3A_76, %get3A_77] : memref<1x128xf32, #tpu.memory_space<vmem>>, vector<1x128xf32>
      %mul3A_79 = arith.constant 9.99999974E-5 : f32
      %mul3A_80 = vector.broadcast %mul3A_79 : f32 to vector<1x128xf32>
      %mul3A_81 = arith.mulf %get3A_78, %mul3A_80 : vector<1x128xf32>
      %get3A_82 = arith.constant 0 : index
      %get3A_83 = arith.constant 0 : index
      %get3A_84 = vector.load %arg8[%get3A_82, %get3A_83] : memref<128x128xf32, #tpu.memory_space<vmem>>, vector<128x128xf32>
      %dot_general3A = arith.constant dense<0.000000e+00> : vector<1x128xf32>
      %dot_general3A_85 = tpu.matmul %mul3A_81, %get3A_84, %dot_general3A {dimension_numbers = #tpu.dot_dimension_numbers<[1], [0], [0], [1], [0, 0, 1, 1], [], []>, transpose_lhs_hint = false} : vector<1x128xf32>, vector<128x128xf32>, vector<1x128xf32> -> vector<1x128xf32>
      %get3A_86 = arith.constant 0 : index
      %get3A_87 = arith.constant 0 : index
      %get3A_88 = vector.load %arg9[%get3A_86, %get3A_87] : memref<1x128xf32, #tpu.memory_space<vmem>>, vector<1x128xf32>
      %add3A_89 = arith.addf %dot_general3A_85, %get3A_88 : vector<1x128xf32>
      %swap3A_90 = arith.constant 0 : index
      %swap3A_91 = arith.constant 0 : index
      %swap3A_92 = vector.load %arg10[%swap3A_90, %swap3A_91] : memref<1x128xf32, #tpu.memory_space<vmem>>, vector<1x128xf32>
      tpu.vector_store %arg10[%swap3A_90, %swap3A_91], %add3A_89 {strides = array<i32>} : memref<1x128xf32, #tpu.memory_space<vmem>>, vector<1x128xf32>,
    } else {
    }
    return
  }
  func.func @transform_0(%arg0: i32) -> (i32, i32, i32) {
    %c0_i32 = arith.constant 0 : i32
    %c0_i32_0 = arith.constant 0 : i32
    %c0_i32_1 = arith.constant 0 : i32
    return %c0_i32, %arg0, %c0_i32_0 : i32, i32, i32
  }
  func.func @transform_1(%arg0: i32) -> (i32, i32) {
    %c0_i32 = arith.constant 0 : i32
    %c0_i32_0 = arith.constant 0 : i32
    return %arg0, %c0_i32 : i32, i32
  }
  func.func @transform_2(%arg0: i32) -> (i32, i32) {
    %c0_i32 = arith.constant 0 : i32
    %c0_i32_0 = arith.constant 0 : i32
    return %arg0, %c0_i32 : i32, i32
  }
  func.func @transform_3(%arg0: i32) -> (i32, i32) {
    %c0_i32 = arith.constant 0 : i32
    %c0_i32_0 = arith.constant 0 : i32
    return %arg0, %c0_i32 : i32, i32
  }
  func.func @transform_4(%arg0: i32) -> (i32, i32) {
    %c0_i32 = arith.constant 0 : i32
    %c0_i32_0 = arith.constant 0 : i32
    %c0_i32_1 = arith.constant 0 : i32
    return %c0_i32, %c0_i32_0 : i32, i32
  }
  func.func @transform_5(%arg0: i32) -> (i32, i32) {
    %c0_i32 = arith.constant 0 : i32
    %c0_i32_0 = arith.constant 0 : i32
    %c0_i32_1 = arith.constant 0 : i32
    return %c0_i32, %c0_i32_0 : i32, i32
  }
  func.func @transform_6(%arg0: i32) -> (i32, i32) {
    %c0_i32 = arith.constant 0 : i32
    %c0_i32_0 = arith.constant 0 : i32
    %c0_i32_1 = arith.constant 0 : i32
    return %c0_i32, %c0_i32_0 : i32, i32
  }
  func.func @transform_7(%arg0: i32) -> (i32, i32) {
    %c0_i32 = arith.constant 0 : i32
    %c0_i32_0 = arith.constant 0 : i32
    %c0_i32_1 = arith.constant 0 : i32
    return %c0_i32, %c0_i32_0 : i32, i32
  }
  func.func @transform_8(%arg0: i32) -> (i32, i32) {
    %c0_i32 = arith.constant 0 : i32
    %c0_i32_0 = arith.constant 0 : i32
    %c0_i32_1 = arith.constant 0 : i32
    return %c0_i32, %c0_i32_0 : i32, i32
  }
  func.func @transform_9(%arg0: i32) -> (i32, i32) {
    %c0_i32 = arith.constant 0 : i32
    %c0_i32_0 = arith.constant 0 : i32
    %c0_i32_1 = arith.constant 0 : i32
    return %c0_i32, %c0_i32_0 : i32, i32
  }
}

</mosaic_0001>

<sc_bundles>
// kernel: kernel.11.cloned.1.call-start
scs
__scs_entry_jumppad:
0x0: {  	(pc) =	sbr.rel $0x88, $3  }
0x1: {  	(tag) =	ssettag $0x0;
	lr =	simm.s32 $0x1  }
0x2: {  	[smem:$0x3F91] =	sst lr;
	_ =	strace $0xD0000000  }
0x3: {  	_ = 	snop  }
0x4: {  	_ = 	snop  }
0x5: {  	_ = 	snop  }
0x6: {  	_ = 	snop  }
0x7: {  	_ = 	snop  }
__scs_overlays_trampoline_lowered:
0x8: {  	[smem:$0x3FA0] =	sst s0  }
0x9: {  	[smem:$0x3FA1] =	sst s1  }
0xa: {  	[smem:$0x3FA2] =	sst s2  }
0xb: {  	[smem:$0x3FA3] =	sst s3  }
0xc: {  	[smem:$0x3FA4] =	sst s4  }
0xd: {  	[smem:$0x3FA5] =	sst s5  }
0xe: {  	[smem:$0x3FA6] =	sst s6  }
0xf: {  	[smem:$0x3FA7] =	sst s7  }
0x10: {  	[smem:$0x3FA8] =	sst s8  }
0x11: {  	[smem:$0x3FA9] =	sst s9;
	s0 =	simm.s32 @!p0 $0x0  }
0x12: {  	s1 =	sld [smem:$0x3F8F];
	s0 =	simm.s32 @p0 $0x1  }
0x13: {  	[smem:$0x3FAA] =	sst s0;
	s0 =	simm.s32 @!p1 $0x0  }
0x14: {  	s2 =	sld [smem:$0x3F8E];
	s0 =	simm.s32 @p1 $0x1  }
0x15: {  	[smem:$0x3FAB] =	sst s0;
	s0 =	simm.s32 @!p2 $0x0  }
0x16: {  	s3 =	sld [smem:$0x3FDB];
	s0 =	simm.s32 @p2 $0x1  }
0x17: {  	s4 =	simm.s32 $0x1BF5;
	[smem:$0x3FAD] =	sst s0  }
0x18: {  	s0 =	sld [smem:$0x3F90];
	_ =	swait.ge [sflag:s4], $0x0  }
0x19: {  	s7 =	sld [smem:$0x3F91]  }
0x1a: {  	s8 =	sadd.s32 $0xFFFFE003, lr  }
0x1b: {  	s9 =	sadd.s32 $0xFFFFFEF7, lr;
	s5 =	simm.s32 $0xFFFFFFFF;
	p2 =	slt.u32 s8, $0xFFFFF086  }
0x1c: {  	p1 =	slt.u32 s9, $0xF7A;
	s5 =	simm.s32 @!p2 $0x0  }
0x1d: {  	s5 =	simm.s32 @p1 $0x1;
	p0 =	seq.s32 s7, s2  }
0x1e: {  	s7 =	smul.u32 @!p0 $0xF7A, s2;
	p2 =	seq.s32 @!p0 s5, $0x0  }
0x1f: {  	s9 =	smul.u32 $0xF7A, s1;
	s8 =	simm.s32 @!p0 $0x1BF5;
	p2 =	por !p2, p0  }
0x20: {  	[sflag:s8] =	ssyncset.s32 @!p0 $0xFFFFF086;
	s6 =	sadd.s32 @!p0 s3, s7;
	s7 =	simm.s32 @!p0 $0x108  }
0x21: {  	s3 =	sadd.s32 s3, s9;
	s6 =	sadd.s32 @!p0 $0x88, s6;
	s7 =	simm.s32 @p2 $0x1082  }
0x22: {  	[simem:s7], [sflag:s8] =	dma.local @!p0 [hbm:s6], $0xF7A  }
0x23: {  	s9 =	sor.u32 $0xD0000000, s2;
	s6 =	simm.s32 $0x108;
	_ =	swait.ge @!p0 [sflag:s8], $0x0  }
0x24: {  	s3 =	sadd.s32 $0x88, s3;
	s6 =	simm.s32 @!p1 $0x1082;
	[sflag:s4] =	ssyncset.s32 $0xFFFFF086  }
0x25: {  	[simem:s6], [sflag:s4] =	dma.local [hbm:s3], $0xF7A  }
0x26: {  	[smem:$0x3F91] =	sst s1;
	(tag) =	ssettag s2;
	_ =	strace s9  }
0x27: {  	s1 =	sld [smem:$0x3FA1]  }
0x28: {  	s2 =	sld [smem:$0x3FA2]  }
0x29: {  	s4 =	sld [smem:$0x3FA4]  }
0x2a: {  	p0 =	seq.s32 s5, $0x0;
	s5 =	sld [smem:$0x3FA5]  }
0x2b: {  	s6 =	sld [smem:$0x3FA6]  }
0x2c: {  	s7 =	sld [smem:$0x3FA7]  }
0x2d: {  	s3 =	simm.s32 $0x108;
	s8 =	sld [smem:$0x3FA8]  }
0x2e: {  	s3 =	simm.s32 @!p0 $0x1082;
	s9 =	sld [smem:$0x3FA9]  }
0x2f: {  	lr =	sadd.s32 s0, s3;
	s0 =	sld [smem:$0x3FA0]  }
0x30: {  	s3 =	sld [smem:$0x3FA3]  }
0x31: {  	[smem:$0x3FAC] =	sst s10  }
0x32: {  	s10 =	sld [smem:$0x3FAA];
	_ =	sdelay $0x3  }
0x33: {  	p0 =	seq.s32 s10, $0x1;
	s10 =	sld [smem:$0x3FAC];
	_ =	sdelay $0x3  }
0x34: {  	[smem:$0x3FAC] =	sst s10  }
0x35: {  	s10 =	sld [smem:$0x3FAB];
	_ =	sdelay $0x3  }
0x36: {  	p1 =	seq.s32 s10, $0x1;
	s10 =	sld [smem:$0x3FAC];
	_ =	sdelay $0x3  }
0x37: {  	[smem:$0x3FAC] =	sst s10  }
0x38: {  	s10 =	sld [smem:$0x3FAD]  }
0x39: {  	_ = 	snop;
	(pc) =	sbr.ind lr, $3  }
0x3a: {  	_ = 	snop  }
0x3b: {  	_ = 	snop  }
0x3c: {  	p2 =	seq.s32 s10, $0x1;
	s10 =	sld [smem:$0x3FAC]  }
0x3d: {  	_ =	shalt  }
0x3e: {  	_ =	shalt  }
0x3f: {  	_ =	shalt  }
0x40: {  	_ =	shalt  }
0x41: {  	_ =	shalt  }
0x42: {  	_ =	shalt  }
0x43: {  	_ =	shalt  }
0x44: {  	_ =	shalt  }
0x45: {  	_ =	shalt  }
0x46: {  	_ =	shalt  }
0x47: {  	_ =	shalt  }
0x48: {  	_ =	shalt  }
0x49: {  	_ =	shalt  }
0x4a: {  	_ =	shalt  }
0x4b: {  	_ =	shalt  }
0x4c: {  	_ =	shalt  }
0x4d: {  	_ =	shalt  }
0x4e: {  	_ =	shalt  }
0x4f: {  	_ =	shalt  }
0x50: {  	_ =	shalt  }
0x51: {  	_ =	shalt  }
0x52: {  	_ =	shalt  }
0x53: {  	_ =	shalt  }
0x54: {  	_ =	shalt  }
0x55: {  	_ =	shalt  }
0x56: {  	_ =	shalt  }
0x57: {  	_ =	shalt  }
0x58: {  	_ =	shalt  }
0x59: {  	_ =	shalt  }
0x5a: {  	_ =	shalt  }
0x5b: {  	_ =	shalt  }
0x5c: {  	_ =	shalt  }
0x5d: {  	_ =	shalt  }
0x5e: {  	_ =	shalt  }
0x5f: {  	_ =	shalt  }
0x60: {  	_ =	shalt  }
0x61: {  	_ =	shalt  }
0x62: {  	_ =	shalt  }
0x63: {  	_ =	shalt  }
0x64: {  	_ =	shalt  }
0x65: {  	_ =	shalt  }
0x66: {  	_ =	shalt  }
0x67: {  	_ =	shalt  }
0x68: {  	_ =	shalt  }
0x69: {  	_ =	shalt  }
0x6a: {  	_ =	shalt  }
0x6b: {  	_ =	shalt  }
0x6c: {  	_ =	shalt  }
0x6d: {  	_ =	shalt  }
0x6e: {  	_ =	shalt  }
0x6f: {  	_ =	shalt  }
0x70: {  	_ =	shalt  }
0x71: {  	_ =	shalt  }
0x72: {  	_ =	shalt  }
0x73: {  	_ =	shalt  }
0x74: {  	_ =	shalt  }
0x75: {  	_ =	shalt  }
0x76: {  	_ =	shalt  }
0x77: {  	_ =	shalt  }
0x78: {  	_ =	shalt  }
0x79: {  	_ =	shalt  }
0x7a: {  	_ =	shalt  }
0x7b: {  	_ =	shalt  }
0x7c: {  	_ =	shalt  }
0x7d: {  	_ =	shalt  }
0x7e: {  	_ =	shalt  }
0x7f: {  	_ =	shalt  }
0x80: {  	_ =	shalt  }
0x81: {  	_ =	shalt  }
0x82: {  	_ =	shalt  }
0x83: {  	_ =	shalt  }
0x84: {  	_ =	shalt  }
0x85: {  	_ =	shalt  }
0x86: {  	_ =	shalt  }
0x87: {  	_ =	shalt  }
.Lfunc_end0:
.L_simem_size_0:
called_computation.1_lowered:
.L_overlay_start_0:
0x88: {  	s2 =	sld [smem:$0x3FD9]  }
0x89: {  	s3 =	sld [smem:$0x3FFE];
	_ =	sdelay $0x1  }
0x8a: {  	s1 =	srdreg.scid  }
0x8b: {  	s0 =	sand.u32 $0x1, s1  }
0x8c: {  	s16 =	sshll.u32 s0, $0xA;
	s2 =	sadd.s32 s3, s2  }
0x8d: {  	s2 =	sadd.s32 s2, s16  }
0x8e: {  	[smem:$0x3FB8] =	sst s2  }
0x8f: {  	_ = 	snop  }
0x90: {  	(tm) =	ssettm $0x1  }
0x91: {  	s17 =	sld [smem:$0x3FFB];
	_ =	sdelay $0x3  }
0x92: {  	_ =	strace s17  }
0x93: {  	s2 =	sld [smem:$0x3FFC];
	_ =	sdelay $0x3  }
0x94: {  	_ =	strace s2  }
0x95: {  	s2 =	sld [smem:$0x3FFD];
	_ =	sdelay $0x3  }
0x96: {  	_ =	strace s2  }
0x97: {  	_ =	strace $0x8FFFFFFF  }
0x98: {  	s18 =	sld [smem:$0x3FDB];
	_ =	sdelay $0x1  }
0x99: {  	s19 =	simm.s32 $_scs_section_size  }
0x9a: {  	s4 =	simm.s32 $_size__tile_overlayer_lowered;
	s5 =	simm.s32 $_tile_overlayer_lowered  }
0x9b: {  	s22 =	simm.s32 $0x1BFF;
	s21 =	sshll.u32 s5, $0x1;
	s2 =	sadd.s32 s19, s18  }
0x9c: {  	s6 =	simm.s32 $0x0;
	s20 =	sshll.u32 s4, $0x1;
	s4 =	sadd.s32 s21, s2  }
0x9d: {  	[timem:s6], [sflag:s22] =	dma.local [hbm:s4], s20  }
0x9e: {  	_ =	swait.ge [sflag:s22], s20  }
0x9f: {  	s3 =	ssub.s32 $0x0, s20;
	[sflag:s22] =	ssyncset.done $0x0  }
0xa0: {  	[sflag:s22] =	ssyncadd.s32 s3;
	_ =	sdelay $0x1  }
0xa1: {  	s23 =	simm.s32 $0x1B8B  }
0xa2: {  	_ =	swait.ge [sflag:s23], $0x1  }
0xa3: {  	[sflag:s23] =	ssyncset.done $0x0  }
0xa4: {  	s25 =	simm.s32 $0x1B8E;
	s24 =	sld [smem:$0x3FFE];
	[sflag:s23] =	ssyncadd.s32 $0xFFFFFFFF  }
0xa5: {  	s26 =	simm.s32 $execute0_lowered;
	[smem:$0x3FD2] =	sst s25  }
0xa6: {  	s4 =	sshll.u32 s26, $0x1;
	_ =	strace $0x80000049;
	[dreg:$0x1] =	wrdreg $0xFFFFFFFF  }
0xa7: {  	s28 =	simm.s32 $_size_execute0_lowered;
	s2 =	sadd.s32 s2, s4;
	[dreg:$0x0] =	wrdreg $0x0  }
0xa8: {  	s4 =	sshll.u32 s28, $0x1;
	[dreg:$0x2] =	wrdreg s2  }
0xa9: {  	[dreg:$0x3] =	wrdreg s4  }
0xaa: {  	[dreg:$0x4] =	wrdreg $0xC0  }
0xab: {  	_ =	task [dreg:s6], $0x5FFFF  }
0xac: {  	[dreg:$0x1] =	wrdreg $0xFFFFFFFF  }
0xad: {  	[dreg:$0x0] =	wrdreg $0x60  }
0xae: {  	[dreg:$0x2] =	wrdreg s24  }
0xaf: {  	[dreg:$0x3] =	wrdreg $0xA8000  }
0xb0: {  	[dreg:$0x4] =	wrdreg $0x9  }
0xb1: {  	_ =	task.clear_ibuf [dreg:s6], $0x5FFFF;
	_ =	strace $0x90000049  }
0xb2: {  	s29 =	simm.s32 $0x9;
	_ =	strace $0x8000004B  }
0xb3: {  	_ =	swait.ge [sflag:s29], $0x1  }
0xb4: {  	[sflag:s29] =	ssyncadd.s32 $0xFFFFFFFF  }
0xb5: {  	_ =	strace $0x9000004B  }
0xb6: {  	_ =	sfence  }
0xb7: {  	s30 =	sld [smem:$0x0];
	_ =	sdelay $0x2  }
0xb8: {  	s31 =	sshll.u32 s1, $0xD;
	s1 =	sshrl.u32 s1, $0x2  }
0xb9: {  	s3 =	sand.u32 $0x4000, s31;
	s1 =	sadd.s32 s1, s30  }
0xba: {  	s0 =	sor.u32 s3, s0;
	s1 =	sshll.u32 s1, $0x11  }
0xbb: {  	s0 =	sor.u32 s1, s0  }
0xbc: {  	s0 =	sadd.s32 $0x8F2B, s0  }
0xbd: {  	[sflag:s0] =	ssyncadd.remote.s32 $0x1  }
0xbe: {  	_ =	sfence.sel $0xFFFF  }
0xbf: {  	[dreg:$0x0] =	wrdreg $0xFFFFFFFF;
	(pc) =	sbr.abs _section_cstart, $3  }
0xc0: {  	[dreg:$0x1] =	wrdreg $0xFFFFFFFF  }
0xc1: {  	_ =	task.clear_ibuf [dreg:s6], $0x2FFFF;
	_ =	strace $0x9FFFFFFF  }
0xc2: {  	(tm) =	ssettm $0x7FFFFFFF  }
0xc3: {  	_ =	shalt  }
tec
execute0_lowered:
.L_overlay_start_1:
0x0: {  	(tag) =	ssettag $0x1  }
0x1: {  	s6 =	rddreg [dreg:$0x0]  }
0x2: {  	s1 =	rddreg [dreg:$0x1]  }
0x3: {  	s2 =	srdreg.scid;
	s0 =	rddreg [dreg:$0x2];
	s3 =	simm.s32 $0x0  }
0x4: {  	s16 =	simm.s32 $0x80;
	s17 =	simm.s32 $0x2800;
	s18 =	simm.s32 $0x6800  }
0x5: {  	s19 =	simm.s32 $0x1;
	s20 =	simm.s32 $0x3;
	s21 =	simm.s32 $0x2  }
0x6: {  	s22 =	simm.s32 $0x4;
	s23 =	simm.s32 $0x2700;
	s24 =	simm.s32 $0x2780  }
0x7: {  	s25 =	simm.s32 $0x0;
	s7 =	sand.u32 $0x1, s2;
	s2 =	stileid.u32  }
0x8: {  	[smem:$0x7FF] =	sst s3;
	s4 =	sadd.s32 $0x18C00, s6;
	s5 =	smul.u32 $0x140000, s7  }
0x9: {  	s11 =	sadd.s32 $0x4C00, s6;
	s12 =	sadd.s32 $0xEC00, s6;
	s8 =	smul.u32 $0x14000, s2  }
0xa: {  	_ =	strace $0x8000004A;
	s9 =	ssub.s32 $0x2, s7;
	s10 =	sshll.u32 s2, $0x1  }
0xb: {  	s13 =	smul.u32 $0x50000, s2;
	s30 =	sshll.u32 s2, $0x6;
	s28 =	sshrl.u32 s9, $0x1  }
0xc: {  	s7 =	sor.u32 s7, s10;
	s8 =	sadd.s32 s8, s5;
	s5 =	sadd.s32 $0x68C00, s6  }
0xd: {  	s29 =	sshrl.u32 s13, $0x2;
	s14 =	smul.u32 $0x2800, s7;
	s8 =	sshrl.u32 s8, $0x3  }
0xe: {  	s9 =	ssub.s32 s9, s28;
	s15 =	sadd.s32 s29, s1;
	s8 =	sadd.s32 s8, s6  }
0xf: {  	s6 =	sor.u32 $0x1C05, s30;
	s31 =	sshrl.u32 s14, $0x3;
	s14 =	simm.s32 $0x5  }
0x10: {  	s7 =	sadd.s32 $0x6B400, s8;
	s8 =	smax.u32 s9, $0x1;
	s13 =	sadd.s32 $0x280, s31  }
0x11: {  	s9 =	sadd.s32 s11, s31;
	s10 =	sadd.s32 s12, s31;
	s11 =	sadd.s32 s11, s13  }
0x12: {  	s12 =	sadd.s32 s12, s13;
	s13 =	sshrl.u32 s15, $0x3;
	s15 =	simm.s32 $0x1400  }
.LBB2_1:
0x13: {  	[spmem:s13], [sflag:s6] =	dma.local [hbm:s5], $0x2800  }
0x14: {  	_ =	swait.ge [sflag:s14], $0x2800  }
0x15: {  	[sflag:s14] =	ssyncset.done $0x0  }
0x16: {  	[sflag:s14] =	ssyncadd.s32 $0xFFFFD800  }
0x17: {  	[bflag:$0x0] =	sbarrier.arrive $0xFFFF  }
0x18: {  	[tilespmem:s3], [sflag:$0x5] =	stream.linear.gather [hbm4b:s9+s3], $0x1400, $0x38;
	[tilespmem:$0x1E800] =	vst v63  }
0x19: {  	_ =	swait.ge [sflag:s14], $0x1400  }
0x1a: {  	[sflag:s14] =	ssyncset.done $0x0  }
0x1b: {  	[sflag:s14] =	ssyncadd.s32 $0xFFFFEC00  }
0x1c: {  	[tilespmem:s15], [sflag:$0x5] =	stream.linear.gather [hbm4b:s10+s3], $0x1400, $0x38;
	[tilespmem:$0x1E800] =	vst v63  }
0x1d: {  	_ =	swait.ge [sflag:s14], $0x1400  }
0x1e: {  	[sflag:s14] =	ssyncset.done $0x0  }
0x1f: {  	[sflag:s14] =	ssyncadd.s32 $0xFFFFEC00  }
0x20: {  	[tilespmem:s17], [sflag:$0x1] =	stream.indirect.gather [hbm4b:s4+s16], $0x80, s3, s16, $0xb8;
	[tilespmem:$0x1E800] =	vst v63  }
0x21: {  	_ = 	snop  }
0x22: {  	[tilespmem:s18], [sflag:$0x2] =	stream.indirect.gather [hbm4b:s4+s16], $0x80, s16, s16, $0xb8;
	[tilespmem:$0x1E800] =	vst v63  }
0x23: {  	_ =	swait.ge [sflag:s19], $0x4000  }
0x24: {  	[sflag:s19] =	ssyncset.done $0x0  }
0x25: {  	s26 =	simm.s32 $0x1400;
	[sflag:s19] =	ssyncadd.s32 $0xFFFFC000  }
0x26: {  	[spmem:s1] =	stream.indirect.scatter.add.f32 [tilespmem:s17], [sflag:$0x3], $0x80, s26, s16, $0xb8;
	[tilespmem:$0x1E800] =	vst v63  }
0x27: {  	_ =	swait.ge [sflag:s20], $0x4000  }
0x28: {  	[sflag:s20] =	ssyncset.done $0x0  }
0x29: {  	s30 =	simm.s32 $0x100;
	[sflag:s20] =	ssyncadd.s32 $0xFFFFC000  }
0x2a: {  	[tilespmem:s17], [sflag:$0x1] =	stream.indirect.gather [hbm4b:s4+s16], $0x80, s30, s16, $0xb8;
	[tilespmem:$0x1E800] =	vst v63  }
0x2b: {  	_ =	swait.ge [sflag:s21], $0x4000  }
0x2c: {  	[sflag:s21] =	ssyncset.done $0x0  }
0x2d: {  	s31 =	simm.s32 $0x1480;
	[sflag:s21] =	ssyncadd.s32 $0xFFFFC000  }
0x2e: {  	[spmem:s1] =	stream.indirect.scatter.add.f32 [tilespmem:s18], [sflag:$0x4], $0x80, s31, s16, $0xb8;
	[tilespmem:$0x1E800] =	vst v63  }
0x2f: {  	_ =	swait.ge [sflag:s22], $0x4000  }
0x30: {  	[sflag:s22] =	ssyncset.done $0x0  }
0x31: {  	s28 =	simm.s32 $0x180;
	s26 =	simm.s32 $0x400;
	[sflag:s22] =	ssyncadd.s32 $0xFFFFC000  }
.LBB2_2:
0x32: {  	[tilespmem:s18], [sflag:$0x2] =	stream.indirect.gather [hbm4b:s4+s16], $0x80, s28, s16, $0xb8;
	[tilespmem:$0x1E800] =	vst v63  }
0x33: {  	s28 =	smov.u32 s26  }
0x34: {  	p0 =	sne.s32 s26, $0x4800;
	s26 =	sadd.s32 $0x400, s26;
	_ =	swait.ge [sflag:s19], $0x4000  }
0x35: {  	s28 =	sshra.s32 s28, $0x2;
	[sflag:s19] =	ssyncset.done $0x0  }
0x36: {  	s29 =	sadd.s32 $0x1400, s28;
	[sflag:s19] =	ssyncadd.s32 $0xFFFFC000  }
0x37: {  	[spmem:s1] =	stream.indirect.scatter.add.f32 [tilespmem:s17], [sflag:$0x3], $0x80, s29, s16, $0xb8;
	[tilespmem:$0x1E800] =	vst v63  }
0x38: {  	_ =	swait.ge [sflag:s20], $0x4000  }
0x39: {  	[sflag:s20] =	ssyncset.done $0x0  }
0x3a: {  	s29 =	sadd.s32 $0x100, s28;
	[sflag:s20] =	ssyncadd.s32 $0xFFFFC000  }
0x3b: {  	[tilespmem:s17], [sflag:$0x1] =	stream.indirect.gather [hbm4b:s4+s16], $0x80, s29, s16, $0xb8;
	[tilespmem:$0x1E800] =	vst v63  }
0x3c: {  	_ =	swait.ge [sflag:s21], $0x4000  }
0x3d: {  	[sflag:s21] =	ssyncset.done $0x0  }
.Ltmp0:
0x3e: {  	s29 =	sadd.s32 $0x1480, s28;
	[sflag:s21] =	ssyncadd.s32 $0xFFFFC000;
	(pc) =	sbr.rel @p0 .LBB2_2-.Ltmp0, $4  }
0x3f: {  	[spmem:s1] =	stream.indirect.scatter.add.f32 [tilespmem:s18], [sflag:$0x4], $0x80, s29, s16, $0xb8;
	[tilespmem:$0x1E800] =	vst v63  }
0x40: {  	_ =	swait.ge [sflag:s22], $0x4000  }
0x41: {  	[sflag:s22] =	ssyncset.done $0x0  }
0x42: {  	s28 =	sadd.s32 $0x180, s28;
	[sflag:s22] =	ssyncadd.s32 $0xFFFFC000  }
0x43: {  	[tilespmem:s18], [sflag:$0x2] =	stream.indirect.gather [hbm4b:s4+s16], $0x80, s28, s16, $0xb8;
	[tilespmem:$0x1E800] =	vst v63  }
0x44: {  	_ =	swait.ge [sflag:s19], $0x4000  }
0x45: {  	[sflag:s19] =	ssyncset.done $0x0  }
0x46: {  	[sflag:s19] =	ssyncadd.s32 $0xFFFFC000  }
0x47: {  	[spmem:s1] =	stream.indirect.scatter.add.f32 [tilespmem:s17], [sflag:$0x3], $0x80, s23, s16, $0xb8;
	[tilespmem:$0x1E800] =	vst v63  }
0x48: {  	_ =	swait.ge [sflag:s20], $0x4000  }
0x49: {  	[sflag:s20] =	ssyncset.done $0x0  }
0x4a: {  	[sflag:s20] =	ssyncadd.s32 $0xFFFFC000  }
0x4b: {  	_ =	swait.ge [sflag:s21], $0x4000  }
0x4c: {  	[sflag:s21] =	ssyncset.done $0x0  }
0x4d: {  	[sflag:s21] =	ssyncadd.s32 $0xFFFFC000  }
0x4e: {  	[spmem:s1] =	stream.indirect.scatter.add.f32 [tilespmem:s18], [sflag:$0x4], $0x80, s24, s16, $0xb8;
	[tilespmem:$0x1E800] =	vst v63  }
0x4f: {  	_ =	swait.ge [sflag:s22], $0x4000  }
0x50: {  	[sflag:s22] =	ssyncset.done $0x0  }
0x51: {  	s26 =	simm.s32 $0x0;
	[sflag:s22] =	ssyncadd.s32 $0xFFFFC000  }
0x52: {  	[tilespmem:s26], [sflag:$0x5] =	stream.linear.gather [hbm4b:s11+s26], $0x1400, $0x38;
	[tilespmem:$0x1E800] =	vst v63  }
0x53: {  	_ =	swait.ge [sflag:s14], $0x1400  }
0x54: {  	[sflag:s14] =	ssyncset.done $0x0  }
0x55: {  	[sflag:s14] =	ssyncadd.s32 $0xFFFFEC00  }
0x56: {  	[tilespmem:s15], [sflag:$0x5] =	stream.linear.gather [hbm4b:s12+s26], $0x1400, $0x38;
	[tilespmem:$0x1E800] =	vst v63  }
0x57: {  	_ =	swait.ge [sflag:s14], $0x1400  }
0x58: {  	[sflag:s14] =	ssyncset.done $0x0  }
0x59: {  	[sflag:s14] =	ssyncadd.s32 $0xFFFFEC00  }
0x5a: {  	[tilespmem:s17], [sflag:$0x1] =	stream.indirect.gather [hbm4b:s4+s16], $0x80, s26, s16, $0xb8;
	[tilespmem:$0x1E800] =	vst v63  }
0x5b: {  	_ = 	snop  }
0x5c: {  	[tilespmem:s18], [sflag:$0x2] =	stream.indirect.gather [hbm4b:s4+s16], $0x80, s16, s16, $0xb8;
	[tilespmem:$0x1E800] =	vst v63  }
0x5d: {  	_ =	swait.ge [sflag:s19], $0x4000  }
0x5e: {  	[sflag:s19] =	ssyncset.done $0x0  }
0x5f: {  	s29 =	simm.s32 $0x1400;
	[sflag:s19] =	ssyncadd.s32 $0xFFFFC000  }
0x60: {  	[spmem:s1] =	stream.indirect.scatter.add.f32 [tilespmem:s17], [sflag:$0x3], $0x80, s29, s16, $0xb8;
	[tilespmem:$0x1E800] =	vst v63  }
0x61: {  	_ =	swait.ge [sflag:s20], $0x4000  }
0x62: {  	[sflag:s20] =	ssyncset.done $0x0  }
0x63: {  	s30 =	simm.s32 $0x100;
	[sflag:s20] =	ssyncadd.s32 $0xFFFFC000  }
0x64: {  	[tilespmem:s17], [sflag:$0x1] =	stream.indirect.gather [hbm4b:s4+s16], $0x80, s30, s16, $0xb8;
	[tilespmem:$0x1E800] =	vst v63  }
0x65: {  	_ =	swait.ge [sflag:s21], $0x4000  }
0x66: {  	[sflag:s21] =	ssyncset.done $0x0  }
0x67: {  	s31 =	simm.s32 $0x1480;
	[sflag:s21] =	ssyncadd.s32 $0xFFFFC000  }
0x68: {  	[spmem:s1] =	stream.indirect.scatter.add.f32 [tilespmem:s18], [sflag:$0x4], $0x80, s31, s16, $0xb8;
	[tilespmem:$0x1E800] =	vst v63  }
0x69: {  	_ =	swait.ge [sflag:s22], $0x4000  }
0x6a: {  	[sflag:s22] =	ssyncset.done $0x0  }
0x6b: {  	s28 =	simm.s32 $0x180;
	s26 =	simm.s32 $0x400;
	[sflag:s22] =	ssyncadd.s32 $0xFFFFC000  }
.LBB2_4:
0x6c: {  	[tilespmem:s18], [sflag:$0x2] =	stream.indirect.gather [hbm4b:s4+s16], $0x80, s28, s16, $0xb8;
	[tilespmem:$0x1E800] =	vst v63  }
0x6d: {  	s28 =	smov.u32 s26  }
0x6e: {  	p0 =	sne.s32 s26, $0x4800;
	s26 =	sadd.s32 $0x400, s26;
	_ =	swait.ge [sflag:s19], $0x4000  }
0x6f: {  	s28 =	sshra.s32 s28, $0x2;
	[sflag:s19] =	ssyncset.done $0x0  }
0x70: {  	s29 =	sadd.s32 $0x1400, s28;
	[sflag:s19] =	ssyncadd.s32 $0xFFFFC000  }
0x71: {  	[spmem:s1] =	stream.indirect.scatter.add.f32 [tilespmem:s17], [sflag:$0x3], $0x80, s29, s16, $0xb8;
	[tilespmem:$0x1E800] =	vst v63  }
0x72: {  	_ =	swait.ge [sflag:s20], $0x4000  }
0x73: {  	[sflag:s20] =	ssyncset.done $0x0  }
0x74: {  	s29 =	sadd.s32 $0x100, s28;
	[sflag:s20] =	ssyncadd.s32 $0xFFFFC000  }
0x75: {  	[tilespmem:s17], [sflag:$0x1] =	stream.indirect.gather [hbm4b:s4+s16], $0x80, s29, s16, $0xb8;
	[tilespmem:$0x1E800] =	vst v63  }
0x76: {  	_ =	swait.ge [sflag:s21], $0x4000  }
0x77: {  	[sflag:s21] =	ssyncset.done $0x0  }
.Ltmp1:
0x78: {  	s29 =	sadd.s32 $0x1480, s28;
	[sflag:s21] =	ssyncadd.s32 $0xFFFFC000;
	(pc) =	sbr.rel @p0 .LBB2_4-.Ltmp1, $4  }
0x79: {  	[spmem:s1] =	stream.indirect.scatter.add.f32 [tilespmem:s18], [sflag:$0x4], $0x80, s29, s16, $0xb8;
	[tilespmem:$0x1E800] =	vst v63  }
0x7a: {  	_ =	swait.ge [sflag:s22], $0x4000  }
0x7b: {  	[sflag:s22] =	ssyncset.done $0x0  }
0x7c: {  	s28 =	sadd.s32 $0x180, s28;
	[sflag:s22] =	ssyncadd.s32 $0xFFFFC000  }
0x7d: {  	[tilespmem:s18], [sflag:$0x2] =	stream.indirect.gather [hbm4b:s4+s16], $0x80, s28, s16, $0xb8;
	[tilespmem:$0x1E800] =	vst v63  }
0x7e: {  	_ =	swait.ge [sflag:s19], $0x4000  }
0x7f: {  	[sflag:s19] =	ssyncset.done $0x0  }
0x80: {  	[sflag:s19] =	ssyncadd.s32 $0xFFFFC000  }
0x81: {  	[spmem:s1] =	stream.indirect.scatter.add.f32 [tilespmem:s17], [sflag:$0x3], $0x80, s23, s16, $0xb8;
	[tilespmem:$0x1E800] =	vst v63  }
0x82: {  	_ =	swait.ge [sflag:s20], $0x4000  }
0x83: {  	[sflag:s20] =	ssyncset.done $0x0  }
0x84: {  	[sflag:s20] =	ssyncadd.s32 $0xFFFFC000  }
0x85: {  	_ =	swait.ge [sflag:s21], $0x4000  }
0x86: {  	[sflag:s21] =	ssyncset.done $0x0  }
0x87: {  	[sflag:s21] =	ssyncadd.s32 $0xFFFFC000  }
0x88: {  	[spmem:s1] =	stream.indirect.scatter.add.f32 [tilespmem:s18], [sflag:$0x4], $0x80, s24, s16, $0xb8;
	[tilespmem:$0x1E800] =	vst v63  }
0x89: {  	_ =	swait.ge [sflag:s22], $0x4000  }
0x8a: {  	s25 =	sadd.s32 $0x1, s25;
	[sflag:s22] =	ssyncset.done $0x0  }
0x8b: {  	p0 =	sne.s32 s25, s8;
	[sflag:s22] =	ssyncadd.s32 $0xFFFFC000  }
.Ltmp2:
0x8c: {  	[bflag:$0x0] =	sbarrier.arrive $0xFFFF;
	(pc) =	sbr.rel @p0 .LBB2_1-.Ltmp2, $4  }
0x8d: {  	[hbm:s7], [sflag:s6] =	dma.local [spmem:s13], $0x2800  }
0x8e: {  	_ =	swait.ge [sflag:s14], $0x2800  }
0x8f: {  	[sflag:s14] =	ssyncset.done $0x0  }
0x90: {  	[sflag:s14] =	ssyncadd.s32 $0xFFFFD800  }
0x91: {  	_ =	sfence.sel $0x180000  }
0x92: {  	[bflag:$0x0] =	sbarrier.arrive $0xFFFF  }
0x93: {  	p0 =	sne.s32 s2, $0x0;
	_ =	strace $0x9000004A  }
0x94: {  	s0 =	sadd.s32 @!p0 $0x100000, s0;
	[bflag:$0x2] =	sbarrier.arrive $0xFFFF  }
0x95: {  	[sflag:s0] =	ssyncadd.tile.s32 @!p0 $0x1;
	_ =	shalt  }
.Lfunc_end2:
_tile_overlayer_lowered:
.L_overlay_start_2:
0x96: {  	(tag) =	ssettag $0x2  }
0x97: {  	s0 =	rddreg [dreg:$0x0];
	s2 =	stileid.u32  }
0x98: {  	s1 =	rddreg [dreg:$0x1];
	p0 =	sne.s32 s2, $0x0  }
0x99: {  	s3 =	rddreg [dreg:$0x2];
	[bflag:$0x3] =	sbarrier.arrive $0xFFFF;
	s2 =	simm.s32 @!p0 $0x1C05  }
0x9a: {  	[timem:s3], [sflag:s2] =	dma.local @!p0 [hbm:s0], s1  }
0x9b: {  	s0 =	simm.s32 @!p0 $0x5  }
0x9c: {  	_ =	swait.ge @!p0 [sflag:s0], s1  }
0x9d: {  	s1 =	ssub.s32 @!p0 $0x0, s1;
	[sflag:s0] =	ssyncset.done @!p0 $0x0  }
0x9e: {  	[sflag:s0] =	ssyncadd.s32 @!p0 s1  }
0x9f: {  	[bflag:$0x3] =	sbarrier.arrive $0xFFFF  }
0xa0: {  	_ =	shalt  }

// kernel: kernel.14.cloned.1.call-start
scs
__scs_entry_jumppad:
0x0: {  	(pc) =	sbr.rel $0x88, $3  }
0x1: {  	(tag) =	ssettag $0x0;
	lr =	simm.s32 $0x1  }
0x2: {  	[smem:$0x3F91] =	sst lr;
	_ =	strace $0xD0000000  }
0x3: {  	_ = 	snop  }
0x4: {  	_ = 	snop  }
0x5: {  	_ = 	snop  }
0x6: {  	_ = 	snop  }
0x7: {  	_ = 	snop  }
__scs_overlays_trampoline_lowered:
0x8: {  	[smem:$0x3FA0] =	sst s0  }
0x9: {  	[smem:$0x3FA1] =	sst s1  }
0xa: {  	[smem:$0x3FA2] =	sst s2  }
0xb: {  	[smem:$0x3FA3] =	sst s3  }
0xc: {  	[smem:$0x3FA4] =	sst s4  }
0xd: {  	[smem:$0x3FA5] =	sst s5  }
0xe: {  	[smem:$0x3FA6] =	sst s6  }
0xf: {  	[smem:$0x3FA7] =	sst s7  }
0x10: {  	[smem:$0x3FA8] =	sst s8  }
0x11: {  	[smem:$0x3FA9] =	sst s9;
	s0 =	simm.s32 @!p0 $0x0  }
0x12: {  	s1 =	sld [smem:$0x3F8F];
	s0 =	simm.s32 @p0 $0x1  }
0x13: {  	[smem:$0x3FAA] =	sst s0;
	s0 =	simm.s32 @!p1 $0x0  }
0x14: {  	s2 =	sld [smem:$0x3F8E];
	s0 =	simm.s32 @p1 $0x1  }
0x15: {  	[smem:$0x3FAB] =	sst s0;
	s0 =	simm.s32 @!p2 $0x0  }
0x16: {  	s3 =	sld [smem:$0x3FDB];
	s0 =	simm.s32 @p2 $0x1  }
0x17: {  	s4 =	simm.s32 $0x1BF5;
	[smem:$0x3FAD] =	sst s0  }
0x18: {  	s0 =	sld [smem:$0x3F90];
	_ =	swait.ge [sflag:s4], $0x0  }
0x19: {  	s7 =	sld [smem:$0x3F91]  }
0x1a: {  	s8 =	sadd.s32 $0xFFFFE003, lr  }
0x1b: {  	s9 =	sadd.s32 $0xFFFFFEF7, lr;
	s5 =	simm.s32 $0xFFFFFFFF;
	p2 =	slt.u32 s8, $0xFFFFF086  }
0x1c: {  	p1 =	slt.u32 s9, $0xF7A;
	s5 =	simm.s32 @!p2 $0x0  }
0x1d: {  	s5 =	simm.s32 @p1 $0x1;
	p0 =	seq.s32 s7, s2  }
0x1e: {  	s7 =	smul.u32 @!p0 $0xF7A, s2;
	p2 =	seq.s32 @!p0 s5, $0x0  }
0x1f: {  	s9 =	smul.u32 $0xF7A, s1;
	s8 =	simm.s32 @!p0 $0x1BF5;
	p2 =	por !p2, p0  }
0x20: {  	[sflag:s8] =	ssyncset.s32 @!p0 $0xFFFFF086;
	s6 =	sadd.s32 @!p0 s3, s7;
	s7 =	simm.s32 @!p0 $0x108  }
0x21: {  	s3 =	sadd.s32 s3, s9;
	s6 =	sadd.s32 @!p0 $0x88, s6;
	s7 =	simm.s32 @p2 $0x1082  }
0x22: {  	[simem:s7], [sflag:s8] =	dma.local @!p0 [hbm:s6], $0xF7A  }
0x23: {  	s9 =	sor.u32 $0xD0000000, s2;
	s6 =	simm.s32 $0x108;
	_ =	swait.ge @!p0 [sflag:s8], $0x0  }
0x24: {  	s3 =	sadd.s32 $0x88, s3;
	s6 =	simm.s32 @!p1 $0x1082;
	[sflag:s4] =	ssyncset.s32 $0xFFFFF086  }
0x25: {  	[simem:s6], [sflag:s4] =	dma.local [hbm:s3], $0xF7A  }
0x26: {  	[smem:$0x3F91] =	sst s1;
	(tag) =	ssettag s2;
	_ =	strace s9  }
0x27: {  	s1 =	sld [smem:$0x3FA1]  }
0x28: {  	s2 =	sld [smem:$0x3FA2]  }
0x29: {  	s4 =	sld [smem:$0x3FA4]  }
0x2a: {  	p0 =	seq.s32 s5, $0x0;
	s5 =	sld [smem:$0x3FA5]  }
0x2b: {  	s6 =	sld [smem:$0x3FA6]  }
0x2c: {  	s7 =	sld [smem:$0x3FA7]  }
0x2d: {  	s3 =	simm.s32 $0x108;
	s8 =	sld [smem:$0x3FA8]  }
0x2e: {  	s3 =	simm.s32 @!p0 $0x1082;
	s9 =	sld [smem:$0x3FA9]  }
0x2f: {  	lr =	sadd.s32 s0, s3;
	s0 =	sld [smem:$0x3FA0]  }
0x30: {  	s3 =	sld [smem:$0x3FA3]  }
0x31: {  	[smem:$0x3FAC] =	sst s10  }
0x32: {  	s10 =	sld [smem:$0x3FAA];
	_ =	sdelay $0x3  }
0x33: {  	p0 =	seq.s32 s10, $0x1;
	s10 =	sld [smem:$0x3FAC];
	_ =	sdelay $0x3  }
0x34: {  	[smem:$0x3FAC] =	sst s10  }
0x35: {  	s10 =	sld [smem:$0x3FAB];
	_ =	sdelay $0x3  }
0x36: {  	p1 =	seq.s32 s10, $0x1;
	s10 =	sld [smem:$0x3FAC];
	_ =	sdelay $0x3  }
0x37: {  	[smem:$0x3FAC] =	sst s10  }
0x38: {  	s10 =	sld [smem:$0x3FAD]  }
0x39: {  	_ = 	snop;
	(pc) =	sbr.ind lr, $3  }
0x3a: {  	_ = 	snop  }
0x3b: {  	_ = 	snop  }
0x3c: {  	p2 =	seq.s32 s10, $0x1;
	s10 =	sld [smem:$0x3FAC]  }
0x3d: {  	_ =	shalt  }
0x3e: {  	_ =	shalt  }
0x3f: {  	_ =	shalt  }
0x40: {  	_ =	shalt  }
0x41: {  	_ =	shalt  }
0x42: {  	_ =	shalt  }
0x43: {  	_ =	shalt  }
0x44: {  	_ =	shalt  }
0x45: {  	_ =	shalt  }
0x46: {  	_ =	shalt  }
0x47: {  	_ =	shalt  }
0x48: {  	_ =	shalt  }
0x49: {  	_ =	shalt  }
0x4a: {  	_ =	shalt  }
0x4b: {  	_ =	shalt  }
0x4c: {  	_ =	shalt  }
0x4d: {  	_ =	shalt  }
0x4e: {  	_ =	shalt  }
0x4f: {  	_ =	shalt  }
0x50: {  	_ =	shalt  }
0x51: {  	_ =	shalt  }
0x52: {  	_ =	shalt  }
0x53: {  	_ =	shalt  }
0x54: {  	_ =	shalt  }
0x55: {  	_ =	shalt  }
0x56: {  	_ =	shalt  }
0x57: {  	_ =	shalt  }
0x58: {  	_ =	shalt  }
0x59: {  	_ =	shalt  }
0x5a: {  	_ =	shalt  }
0x5b: {  	_ =	shalt  }
0x5c: {  	_ =	shalt  }
0x5d: {  	_ =	shalt  }
0x5e: {  	_ =	shalt  }
0x5f: {  	_ =	shalt  }
0x60: {  	_ =	shalt  }
0x61: {  	_ =	shalt  }
0x62: {  	_ =	shalt  }
0x63: {  	_ =	shalt  }
0x64: {  	_ =	shalt  }
0x65: {  	_ =	shalt  }
0x66: {  	_ =	shalt  }
0x67: {  	_ =	shalt  }
0x68: {  	_ =	shalt  }
0x69: {  	_ =	shalt  }
0x6a: {  	_ =	shalt  }
0x6b: {  	_ =	shalt  }
0x6c: {  	_ =	shalt  }
0x6d: {  	_ =	shalt  }
0x6e: {  	_ =	shalt  }
0x6f: {  	_ =	shalt  }
0x70: {  	_ =	shalt  }
0x71: {  	_ =	shalt  }
0x72: {  	_ =	shalt  }
0x73: {  	_ =	shalt  }
0x74: {  	_ =	shalt  }
0x75: {  	_ =	shalt  }
0x76: {  	_ =	shalt  }
0x77: {  	_ =	shalt  }
0x78: {  	_ =	shalt  }
0x79: {  	_ =	shalt  }
0x7a: {  	_ =	shalt  }
0x7b: {  	_ =	shalt  }
0x7c: {  	_ =	shalt  }
0x7d: {  	_ =	shalt  }
0x7e: {  	_ =	shalt  }
0x7f: {  	_ =	shalt  }
0x80: {  	_ =	shalt  }
0x81: {  	_ =	shalt  }
0x82: {  	_ =	shalt  }
0x83: {  	_ =	shalt  }
0x84: {  	_ =	shalt  }
0x85: {  	_ =	shalt  }
0x86: {  	_ =	shalt  }
0x87: {  	_ =	shalt  }
.Lfunc_end0:
.L_simem_size_0:
called_computation.2_lowered:
.L_overlay_start_0:
0x88: {  	s2 =	sld [smem:$0x3FD9]  }
0x89: {  	s3 =	sld [smem:$0x3FFE];
	_ =	sdelay $0x1  }
0x8a: {  	s1 =	srdreg.scid  }
0x8b: {  	s0 =	sand.u32 $0x1, s1  }
0x8c: {  	s16 =	sshll.u32 s0, $0xA;
	s2 =	sadd.s32 s3, s2  }
0x8d: {  	s2 =	sadd.s32 s2, s16  }
0x8e: {  	[smem:$0x3FB8] =	sst s2  }
0x8f: {  	_ = 	snop  }
0x90: {  	(tm) =	ssettm $0x1  }
0x91: {  	s17 =	sld [smem:$0x3FFB];
	_ =	sdelay $0x3  }
0x92: {  	_ =	strace s17  }
0x93: {  	s2 =	sld [smem:$0x3FFC];
	_ =	sdelay $0x3  }
0x94: {  	_ =	strace s2  }
0x95: {  	s2 =	sld [smem:$0x3FFD];
	_ =	sdelay $0x3  }
0x96: {  	_ =	strace s2  }
0x97: {  	_ =	strace $0x8FFFFFFF  }
0x98: {  	s18 =	sld [smem:$0x3FDB];
	_ =	sdelay $0x1  }
0x99: {  	s19 =	simm.s32 $_scs_section_size  }
0x9a: {  	s4 =	simm.s32 $_size__tile_overlayer_lowered;
	s5 =	simm.s32 $_tile_overlayer_lowered  }
0x9b: {  	s22 =	simm.s32 $0x1BFF;
	s21 =	sshll.u32 s5, $0x1;
	s2 =	sadd.s32 s19, s18  }
0x9c: {  	s6 =	simm.s32 $0x0;
	s20 =	sshll.u32 s4, $0x1;
	s4 =	sadd.s32 s21, s2  }
0x9d: {  	[timem:s6], [sflag:s22] =	dma.local [hbm:s4], s20  }
0x9e: {  	_ =	swait.ge [sflag:s22], s20  }
0x9f: {  	s3 =	ssub.s32 $0x0, s20;
	[sflag:s22] =	ssyncset.done $0x0  }
0xa0: {  	[sflag:s22] =	ssyncadd.s32 s3;
	_ =	sdelay $0x1  }
0xa1: {  	s23 =	simm.s32 $0x1B8B  }
0xa2: {  	_ =	swait.ge [sflag:s23], $0x1  }
0xa3: {  	[sflag:s23] =	ssyncset.done $0x0  }
0xa4: {  	s25 =	simm.s32 $0x1B8E;
	s24 =	sld [smem:$0x3FFE];
	[sflag:s23] =	ssyncadd.s32 $0xFFFFFFFF  }
0xa5: {  	s26 =	simm.s32 $execute0_lowered;
	[smem:$0x3FD2] =	sst s25  }
0xa6: {  	s4 =	sshll.u32 s26, $0x1;
	_ =	strace $0x8000004C;
	[dreg:$0x1] =	wrdreg $0xFFFFFFFF  }
0xa7: {  	s28 =	simm.s32 $_size_execute0_lowered;
	s2 =	sadd.s32 s2, s4;
	[dreg:$0x0] =	wrdreg $0x0  }
0xa8: {  	s4 =	sshll.u32 s28, $0x1;
	[dreg:$0x2] =	wrdreg s2  }
0xa9: {  	[dreg:$0x3] =	wrdreg s4  }
0xaa: {  	[dreg:$0x4] =	wrdreg $0xC0  }
0xab: {  	_ =	task [dreg:s6], $0x5FFFF  }
0xac: {  	[dreg:$0x1] =	wrdreg $0xFFFFFFFF  }
0xad: {  	[dreg:$0x0] =	wrdreg $0x60  }
0xae: {  	[dreg:$0x2] =	wrdreg s24  }
0xaf: {  	[dreg:$0x3] =	wrdreg $0xA8000  }
0xb0: {  	[dreg:$0x4] =	wrdreg $0x9  }
0xb1: {  	_ =	task.clear_ibuf [dreg:s6], $0x5FFFF;
	_ =	strace $0x9000004C  }
0xb2: {  	s29 =	simm.s32 $0x9;
	_ =	strace $0x8000004E  }
0xb3: {  	_ =	swait.ge [sflag:s29], $0x1  }
0xb4: {  	[sflag:s29] =	ssyncadd.s32 $0xFFFFFFFF  }
0xb5: {  	_ =	strace $0x9000004E  }
0xb6: {  	_ =	sfence  }
0xb7: {  	s30 =	sld [smem:$0x0];
	_ =	sdelay $0x2  }
0xb8: {  	s31 =	sshll.u32 s1, $0xD;
	s1 =	sshrl.u32 s1, $0x2  }
0xb9: {  	s3 =	sand.u32 $0x4000, s31;
	s1 =	sadd.s32 s1, s30  }
0xba: {  	s0 =	sor.u32 s3, s0;
	s1 =	sshll.u32 s1, $0x11  }
0xbb: {  	s0 =	sor.u32 s1, s0  }
0xbc: {  	s0 =	sadd.s32 $0x8F2B, s0  }
0xbd: {  	[sflag:s0] =	ssyncadd.remote.s32 $0x1  }
0xbe: {  	_ =	sfence.sel $0xFFFF  }
0xbf: {  	[dreg:$0x0] =	wrdreg $0xFFFFFFFF;
	(pc) =	sbr.abs _section_cstart, $3  }
0xc0: {  	[dreg:$0x1] =	wrdreg $0xFFFFFFFF  }
0xc1: {  	_ =	task.clear_ibuf [dreg:s6], $0x2FFFF;
	_ =	strace $0x9FFFFFFF  }
0xc2: {  	(tm) =	ssettm $0x7FFFFFFF  }
0xc3: {  	_ =	shalt  }
tec
execute0_lowered:
.L_overlay_start_1:
0x0: {  	(tag) =	ssettag $0x1  }
0x1: {  	s6 =	rddreg [dreg:$0x0]  }
0x2: {  	s1 =	rddreg [dreg:$0x1]  }
0x3: {  	s2 =	srdreg.scid;
	s0 =	rddreg [dreg:$0x2];
	s3 =	simm.s32 $0x0  }
0x4: {  	s16 =	simm.s32 $0x80;
	s17 =	simm.s32 $0x2800;
	s18 =	simm.s32 $0x6800  }
0x5: {  	s19 =	simm.s32 $0x1;
	s20 =	simm.s32 $0x3;
	s21 =	simm.s32 $0x2  }
0x6: {  	s22 =	simm.s32 $0x4;
	s23 =	simm.s32 $0x2700;
	s24 =	simm.s32 $0x2780  }
0x7: {  	s25 =	simm.s32 $0x0;
	s7 =	sand.u32 $0x1, s2;
	s2 =	stileid.u32  }
0x8: {  	[smem:$0x7FF] =	sst s3;
	s4 =	sadd.s32 $0x18C00, s6;
	s5 =	smul.u32 $0x140000, s7  }
0x9: {  	s11 =	sadd.s32 $0x4C00, s6;
	s12 =	sadd.s32 $0xEC00, s6;
	s8 =	smul.u32 $0x14000, s2  }
0xa: {  	_ =	strace $0x8000004D;
	s9 =	ssub.s32 $0x2, s7;
	s10 =	sshll.u32 s2, $0x1  }
0xb: {  	s13 =	smul.u32 $0x50000, s2;
	s30 =	sshll.u32 s2, $0x6;
	s28 =	sshrl.u32 s9, $0x1  }
0xc: {  	s7 =	sor.u32 s7, s10;
	s8 =	sadd.s32 s8, s5;
	s5 =	sadd.s32 $0x68C00, s6  }
0xd: {  	s29 =	sshrl.u32 s13, $0x2;
	s14 =	smul.u32 $0x2800, s7;
	s8 =	sshrl.u32 s8, $0x3  }
0xe: {  	s9 =	ssub.s32 s9, s28;
	s15 =	sadd.s32 s29, s1;
	s8 =	sadd.s32 s8, s6  }
0xf: {  	s6 =	sor.u32 $0x1C05, s30;
	s31 =	sshrl.u32 s14, $0x3;
	s14 =	simm.s32 $0x5  }
0x10: {  	s7 =	sadd.s32 $0x6B400, s8;
	s8 =	smax.u32 s9, $0x1;
	s13 =	sadd.s32 $0x280, s31  }
0x11: {  	s9 =	sadd.s32 s11, s31;
	s10 =	sadd.s32 s12, s31;
	s11 =	sadd.s32 s11, s13  }
0x12: {  	s12 =	sadd.s32 s12, s13;
	s13 =	sshrl.u32 s15, $0x3;
	s15 =	simm.s32 $0x1400  }
.LBB2_1:
0x13: {  	[spmem:s13], [sflag:s6] =	dma.local [hbm:s5], $0x2800  }
0x14: {  	_ =	swait.ge [sflag:s14], $0x2800  }
0x15: {  	[sflag:s14] =	ssyncset.done $0x0  }
0x16: {  	[sflag:s14] =	ssyncadd.s32 $0xFFFFD800  }
0x17: {  	[bflag:$0x0] =	sbarrier.arrive $0xFFFF  }
0x18: {  	[tilespmem:s3], [sflag:$0x5] =	stream.linear.gather [hbm4b:s9+s3], $0x1400, $0x38;
	[tilespmem:$0x1E800] =	vst v63  }
0x19: {  	_ =	swait.ge [sflag:s14], $0x1400  }
0x1a: {  	[sflag:s14] =	ssyncset.done $0x0  }
0x1b: {  	[sflag:s14] =	ssyncadd.s32 $0xFFFFEC00  }
0x1c: {  	[tilespmem:s15], [sflag:$0x5] =	stream.linear.gather [hbm4b:s10+s3], $0x1400, $0x38;
	[tilespmem:$0x1E800] =	vst v63  }
0x1d: {  	_ =	swait.ge [sflag:s14], $0x1400  }
0x1e: {  	[sflag:s14] =	ssyncset.done $0x0  }
0x1f: {  	[sflag:s14] =	ssyncadd.s32 $0xFFFFEC00  }
0x20: {  	[tilespmem:s17], [sflag:$0x1] =	stream.indirect.gather [hbm4b:s4+s16], $0x80, s3, s16, $0xb8;
	[tilespmem:$0x1E800] =	vst v63  }
0x21: {  	_ = 	snop  }
0x22: {  	[tilespmem:s18], [sflag:$0x2] =	stream.indirect.gather [hbm4b:s4+s16], $0x80, s16, s16, $0xb8;
	[tilespmem:$0x1E800] =	vst v63  }
0x23: {  	_ =	swait.ge [sflag:s19], $0x4000  }
0x24: {  	[sflag:s19] =	ssyncset.done $0x0  }
0x25: {  	s26 =	simm.s32 $0x1400;
	[sflag:s19] =	ssyncadd.s32 $0xFFFFC000  }
0x26: {  	[spmem:s1] =	stream.indirect.scatter.add.f32 [tilespmem:s17], [sflag:$0x3], $0x80, s26, s16, $0xb8;
	[tilespmem:$0x1E800] =	vst v63  }
0x27: {  	_ =	swait.ge [sflag:s20], $0x4000  }
0x28: {  	[sflag:s20] =	ssyncset.done $0x0  }
0x29: {  	s30 =	simm.s32 $0x100;
	[sflag:s20] =	ssyncadd.s32 $0xFFFFC000  }
0x2a: {  	[tilespmem:s17], [sflag:$0x1] =	stream.indirect.gather [hbm4b:s4+s16], $0x80, s30, s16, $0xb8;
	[tilespmem:$0x1E800] =	vst v63  }
0x2b: {  	_ =	swait.ge [sflag:s21], $0x4000  }
0x2c: {  	[sflag:s21] =	ssyncset.done $0x0  }
0x2d: {  	s31 =	simm.s32 $0x1480;
	[sflag:s21] =	ssyncadd.s32 $0xFFFFC000  }
0x2e: {  	[spmem:s1] =	stream.indirect.scatter.add.f32 [tilespmem:s18], [sflag:$0x4], $0x80, s31, s16, $0xb8;
	[tilespmem:$0x1E800] =	vst v63  }
0x2f: {  	_ =	swait.ge [sflag:s22], $0x4000  }
0x30: {  	[sflag:s22] =	ssyncset.done $0x0  }
0x31: {  	s28 =	simm.s32 $0x180;
	s26 =	simm.s32 $0x400;
	[sflag:s22] =	ssyncadd.s32 $0xFFFFC000  }
.LBB2_2:
0x32: {  	[tilespmem:s18], [sflag:$0x2] =	stream.indirect.gather [hbm4b:s4+s16], $0x80, s28, s16, $0xb8;
	[tilespmem:$0x1E800] =	vst v63  }
0x33: {  	s28 =	smov.u32 s26  }
0x34: {  	p0 =	sne.s32 s26, $0x4800;
	s26 =	sadd.s32 $0x400, s26;
	_ =	swait.ge [sflag:s19], $0x4000  }
0x35: {  	s28 =	sshra.s32 s28, $0x2;
	[sflag:s19] =	ssyncset.done $0x0  }
0x36: {  	s29 =	sadd.s32 $0x1400, s28;
	[sflag:s19] =	ssyncadd.s32 $0xFFFFC000  }
0x37: {  	[spmem:s1] =	stream.indirect.scatter.add.f32 [tilespmem:s17], [sflag:$0x3], $0x80, s29, s16, $0xb8;
	[tilespmem:$0x1E800] =	vst v63  }
0x38: {  	_ =	swait.ge [sflag:s20], $0x4000  }
0x39: {  	[sflag:s20] =	ssyncset.done $0x0  }
0x3a: {  	s29 =	sadd.s32 $0x100, s28;
	[sflag:s20] =	ssyncadd.s32 $0xFFFFC000  }
0x3b: {  	[tilespmem:s17], [sflag:$0x1] =	stream.indirect.gather [hbm4b:s4+s16], $0x80, s29, s16, $0xb8;
	[tilespmem:$0x1E800] =	vst v63  }
0x3c: {  	_ =	swait.ge [sflag:s21], $0x4000  }
0x3d: {  	[sflag:s21] =	ssyncset.done $0x0  }
.Ltmp0:
0x3e: {  	s29 =	sadd.s32 $0x1480, s28;
	[sflag:s21] =	ssyncadd.s32 $0xFFFFC000;
	(pc) =	sbr.rel @p0 .LBB2_2-.Ltmp0, $4  }
0x3f: {  	[spmem:s1] =	stream.indirect.scatter.add.f32 [tilespmem:s18], [sflag:$0x4], $0x80, s29, s16, $0xb8;
	[tilespmem:$0x1E800] =	vst v63  }
0x40: {  	_ =	swait.ge [sflag:s22], $0x4000  }
0x41: {  	[sflag:s22] =	ssyncset.done $0x0  }
0x42: {  	s28 =	sadd.s32 $0x180, s28;
	[sflag:s22] =	ssyncadd.s32 $0xFFFFC000  }
0x43: {  	[tilespmem:s18], [sflag:$0x2] =	stream.indirect.gather [hbm4b:s4+s16], $0x80, s28, s16, $0xb8;
	[tilespmem:$0x1E800] =	vst v63  }
0x44: {  	_ =	swait.ge [sflag:s19], $0x4000  }
0x45: {  	[sflag:s19] =	ssyncset.done $0x0  }
0x46: {  	[sflag:s19] =	ssyncadd.s32 $0xFFFFC000  }
0x47: {  	[spmem:s1] =	stream.indirect.scatter.add.f32 [tilespmem:s17], [sflag:$0x3], $0x80, s23, s16, $0xb8;
	[tilespmem:$0x1E800] =	vst v63  }
0x48: {  	_ =	swait.ge [sflag:s20], $0x4000  }
0x49: {  	[sflag:s20] =	ssyncset.done $0x0  }
0x4a: {  	[sflag:s20] =	ssyncadd.s32 $0xFFFFC000  }
0x4b: {  	_ =	swait.ge [sflag:s21], $0x4000  }
0x4c: {  	[sflag:s21] =	ssyncset.done $0x0  }
0x4d: {  	[sflag:s21] =	ssyncadd.s32 $0xFFFFC000  }
0x4e: {  	[spmem:s1] =	stream.indirect.scatter.add.f32 [tilespmem:s18], [sflag:$0x4], $0x80, s24, s16, $0xb8;
	[tilespmem:$0x1E800] =	vst v63  }
0x4f: {  	_ =	swait.ge [sflag:s22], $0x4000  }
0x50: {  	[sflag:s22] =	ssyncset.done $0x0  }
0x51: {  	s26 =	simm.s32 $0x0;
	[sflag:s22] =	ssyncadd.s32 $0xFFFFC000  }
0x52: {  	[tilespmem:s26], [sflag:$0x5] =	stream.linear.gather [hbm4b:s11+s26], $0x1400, $0x38;
	[tilespmem:$0x1E800] =	vst v63  }
0x53: {  	_ =	swait.ge [sflag:s14], $0x1400  }
0x54: {  	[sflag:s14] =	ssyncset.done $0x0  }
0x55: {  	[sflag:s14] =	ssyncadd.s32 $0xFFFFEC00  }
0x56: {  	[tilespmem:s15], [sflag:$0x5] =	stream.linear.gather [hbm4b:s12+s26], $0x1400, $0x38;
	[tilespmem:$0x1E800] =	vst v63  }
0x57: {  	_ =	swait.ge [sflag:s14], $0x1400  }
0x58: {  	[sflag:s14] =	ssyncset.done $0x0  }
0x59: {  	[sflag:s14] =	ssyncadd.s32 $0xFFFFEC00  }
0x5a: {  	[tilespmem:s17], [sflag:$0x1] =	stream.indirect.gather [hbm4b:s4+s16], $0x80, s26, s16, $0xb8;
	[tilespmem:$0x1E800] =	vst v63  }
0x5b: {  	_ = 	snop  }
0x5c: {  	[tilespmem:s18], [sflag:$0x2] =	stream.indirect.gather [hbm4b:s4+s16], $0x80, s16, s16, $0xb8;
	[tilespmem:$0x1E800] =	vst v63  }
0x5d: {  	_ =	swait.ge [sflag:s19], $0x4000  }
0x5e: {  	[sflag:s19] =	ssyncset.done $0x0  }
0x5f: {  	s29 =	simm.s32 $0x1400;
	[sflag:s19] =	ssyncadd.s32 $0xFFFFC000  }
0x60: {  	[spmem:s1] =	stream.indirect.scatter.add.f32 [tilespmem:s17], [sflag:$0x3], $0x80, s29, s16, $0xb8;
	[tilespmem:$0x1E800] =	vst v63  }
0x61: {  	_ =	swait.ge [sflag:s20], $0x4000  }
0x62: {  	[sflag:s20] =	ssyncset.done $0x0  }
0x63: {  	s30 =	simm.s32 $0x100;
	[sflag:s20] =	ssyncadd.s32 $0xFFFFC000  }
0x64: {  	[tilespmem:s17], [sflag:$0x1] =	stream.indirect.gather [hbm4b:s4+s16], $0x80, s30, s16, $0xb8;
	[tilespmem:$0x1E800] =	vst v63  }
0x65: {  	_ =	swait.ge [sflag:s21], $0x4000  }
0x66: {  	[sflag:s21] =	ssyncset.done $0x0  }
0x67: {  	s31 =	simm.s32 $0x1480;
	[sflag:s21] =	ssyncadd.s32 $0xFFFFC000  }
0x68: {  	[spmem:s1] =	stream.indirect.scatter.add.f32 [tilespmem:s18], [sflag:$0x4], $0x80, s31, s16, $0xb8;
	[tilespmem:$0x1E800] =	vst v63  }
0x69: {  	_ =	swait.ge [sflag:s22], $0x4000  }
0x6a: {  	[sflag:s22] =	ssyncset.done $0x0  }
0x6b: {  	s28 =	simm.s32 $0x180;
	s26 =	simm.s32 $0x400;
	[sflag:s22] =	ssyncadd.s32 $0xFFFFC000  }
.LBB2_4:
0x6c: {  	[tilespmem:s18], [sflag:$0x2] =	stream.indirect.gather [hbm4b:s4+s16], $0x80, s28, s16, $0xb8;
	[tilespmem:$0x1E800] =	vst v63  }
0x6d: {  	s28 =	smov.u32 s26  }
0x6e: {  	p0 =	sne.s32 s26, $0x4800;
	s26 =	sadd.s32 $0x400, s26;
	_ =	swait.ge [sflag:s19], $0x4000  }
0x6f: {  	s28 =	sshra.s32 s28, $0x2;
	[sflag:s19] =	ssyncset.done $0x0  }
0x70: {  	s29 =	sadd.s32 $0x1400, s28;
	[sflag:s19] =	ssyncadd.s32 $0xFFFFC000  }
0x71: {  	[spmem:s1] =	stream.indirect.scatter.add.f32 [tilespmem:s17], [sflag:$0x3], $0x80, s29, s16, $0xb8;
	[tilespmem:$0x1E800] =	vst v63  }
0x72: {  	_ =	swait.ge [sflag:s20], $0x4000  }
0x73: {  	[sflag:s20] =	ssyncset.done $0x0  }
0x74: {  	s29 =	sadd.s32 $0x100, s28;
	[sflag:s20] =	ssyncadd.s32 $0xFFFFC000  }
0x75: {  	[tilespmem:s17], [sflag:$0x1] =	stream.indirect.gather [hbm4b:s4+s16], $0x80, s29, s16, $0xb8;
	[tilespmem:$0x1E800] =	vst v63  }
0x76: {  	_ =	swait.ge [sflag:s21], $0x4000  }
0x77: {  	[sflag:s21] =	ssyncset.done $0x0  }
.Ltmp1:
0x78: {  	s29 =	sadd.s32 $0x1480, s28;
	[sflag:s21] =	ssyncadd.s32 $0xFFFFC000;
	(pc) =	sbr.rel @p0 .LBB2_4-.Ltmp1, $4  }
0x79: {  	[spmem:s1] =	stream.indirect.scatter.add.f32 [tilespmem:s18], [sflag:$0x4], $0x80, s29, s16, $0xb8;
	[tilespmem:$0x1E800] =	vst v63  }
0x7a: {  	_ =	swait.ge [sflag:s22], $0x4000  }
0x7b: {  	[sflag:s22] =	ssyncset.done $0x0  }
0x7c: {  	s28 =	sadd.s32 $0x180, s28;
	[sflag:s22] =	ssyncadd.s32 $0xFFFFC000  }
0x7d: {  	[tilespmem:s18], [sflag:$0x2] =	stream.indirect.gather [hbm4b:s4+s16], $0x80, s28, s16, $0xb8;
	[tilespmem:$0x1E800] =	vst v63  }
0x7e: {  	_ =	swait.ge [sflag:s19], $0x4000  }
0x7f: {  	[sflag:s19] =	ssyncset.done $0x0  }
0x80: {  	[sflag:s19] =	ssyncadd.s32 $0xFFFFC000  }
0x81: {  	[spmem:s1] =	stream.indirect.scatter.add.f32 [tilespmem:s17], [sflag:$0x3], $0x80, s23, s16, $0xb8;
	[tilespmem:$0x1E800] =	vst v63  }
0x82: {  	_ =	swait.ge [sflag:s20], $0x4000  }
0x83: {  	[sflag:s20] =	ssyncset.done $0x0  }
0x84: {  	[sflag:s20] =	ssyncadd.s32 $0xFFFFC000  }
0x85: {  	_ =	swait.ge [sflag:s21], $0x4000  }
0x86: {  	[sflag:s21] =	ssyncset.done $0x0  }
0x87: {  	[sflag:s21] =	ssyncadd.s32 $0xFFFFC000  }
0x88: {  	[spmem:s1] =	stream.indirect.scatter.add.f32 [tilespmem:s18], [sflag:$0x4], $0x80, s24, s16, $0xb8;
	[tilespmem:$0x1E800] =	vst v63  }
0x89: {  	_ =	swait.ge [sflag:s22], $0x4000  }
0x8a: {  	s25 =	sadd.s32 $0x1, s25;
	[sflag:s22] =	ssyncset.done $0x0  }
0x8b: {  	p0 =	sne.s32 s25, s8;
	[sflag:s22] =	ssyncadd.s32 $0xFFFFC000  }
.Ltmp2:
0x8c: {  	[bflag:$0x0] =	sbarrier.arrive $0xFFFF;
	(pc) =	sbr.rel @p0 .LBB2_1-.Ltmp2, $4  }
0x8d: {  	[hbm:s7], [sflag:s6] =	dma.local [spmem:s13], $0x2800  }
0x8e: {  	_ =	swait.ge [sflag:s14], $0x2800  }
0x8f: {  	[sflag:s14] =	ssyncset.done $0x0  }
0x90: {  	[sflag:s14] =	ssyncadd.s32 $0xFFFFD800  }
0x91: {  	_ =	sfence.sel $0x180000  }
0x92: {  	[bflag:$0x0] =	sbarrier.arrive $0xFFFF  }
0x93: {  	p0 =	sne.s32 s2, $0x0;
	_ =	strace $0x9000004D  }
0x94: {  	s0 =	sadd.s32 @!p0 $0x100000, s0;
	[bflag:$0x2] =	sbarrier.arrive $0xFFFF  }
0x95: {  	[sflag:s0] =	ssyncadd.tile.s32 @!p0 $0x1;
	_ =	shalt  }
.Lfunc_end2:
_tile_overlayer_lowered:
.L_overlay_start_2:
0x96: {  	(tag) =	ssettag $0x2  }
0x97: {  	s0 =	rddreg [dreg:$0x0];
	s2 =	stileid.u32  }
0x98: {  	s1 =	rddreg [dreg:$0x1];
	p0 =	sne.s32 s2, $0x0  }
0x99: {  	s3 =	rddreg [dreg:$0x2];
	[bflag:$0x3] =	sbarrier.arrive $0xFFFF;
	s2 =	simm.s32 @!p0 $0x1C05  }
0x9a: {  	[timem:s3], [sflag:s2] =	dma.local @!p0 [hbm:s0], s1  }
0x9b: {  	s0 =	simm.s32 @!p0 $0x5  }
0x9c: {  	_ =	swait.ge @!p0 [sflag:s0], s1  }
0x9d: {  	s1 =	ssub.s32 @!p0 $0x0, s1;
	[sflag:s0] =	ssyncset.done @!p0 $0x0  }
0x9e: {  	[sflag:s0] =	ssyncadd.s32 @!p0 s1  }
0x9f: {  	[bflag:$0x3] =	sbarrier.arrive $0xFFFF  }
0xa0: {  	_ =	shalt  }

// kernel: kernel.8.cloned.1.call-start
scs
__scs_entry_jumppad:
0x0: {  	(pc) =	sbr.rel $0x88, $3  }
0x1: {  	(tag) =	ssettag $0x0;
	lr =	simm.s32 $0x1  }
0x2: {  	[smem:$0x3F91] =	sst lr;
	_ =	strace $0xD0000000  }
0x3: {  	_ = 	snop  }
0x4: {  	_ = 	snop  }
0x5: {  	_ = 	snop  }
0x6: {  	_ = 	snop  }
0x7: {  	_ = 	snop  }
__scs_overlays_trampoline_lowered:
0x8: {  	[smem:$0x3FA0] =	sst s0  }
0x9: {  	[smem:$0x3FA1] =	sst s1  }
0xa: {  	[smem:$0x3FA2] =	sst s2  }
0xb: {  	[smem:$0x3FA3] =	sst s3  }
0xc: {  	[smem:$0x3FA4] =	sst s4  }
0xd: {  	[smem:$0x3FA5] =	sst s5  }
0xe: {  	[smem:$0x3FA6] =	sst s6  }
0xf: {  	[smem:$0x3FA7] =	sst s7  }
0x10: {  	[smem:$0x3FA8] =	sst s8  }
0x11: {  	[smem:$0x3FA9] =	sst s9;
	s0 =	simm.s32 @!p0 $0x0  }
0x12: {  	s1 =	sld [smem:$0x3F8F];
	s0 =	simm.s32 @p0 $0x1  }
0x13: {  	[smem:$0x3FAA] =	sst s0;
	s0 =	simm.s32 @!p1 $0x0  }
0x14: {  	s2 =	sld [smem:$0x3F8E];
	s0 =	simm.s32 @p1 $0x1  }
0x15: {  	[smem:$0x3FAB] =	sst s0;
	s0 =	simm.s32 @!p2 $0x0  }
0x16: {  	s3 =	sld [smem:$0x3FDB];
	s0 =	simm.s32 @p2 $0x1  }
0x17: {  	s4 =	simm.s32 $0x1BF5;
	[smem:$0x3FAD] =	sst s0  }
0x18: {  	s0 =	sld [smem:$0x3F90];
	_ =	swait.ge [sflag:s4], $0x0  }
0x19: {  	s7 =	sld [smem:$0x3F91]  }
0x1a: {  	s8 =	sadd.s32 $0xFFFFE003, lr  }
0x1b: {  	s9 =	sadd.s32 $0xFFFFFEF7, lr;
	s5 =	simm.s32 $0xFFFFFFFF;
	p2 =	slt.u32 s8, $0xFFFFF086  }
0x1c: {  	p1 =	slt.u32 s9, $0xF7A;
	s5 =	simm.s32 @!p2 $0x0  }
0x1d: {  	s5 =	simm.s32 @p1 $0x1;
	p0 =	seq.s32 s7, s2  }
0x1e: {  	s7 =	smul.u32 @!p0 $0xF7A, s2;
	p2 =	seq.s32 @!p0 s5, $0x0  }
0x1f: {  	s9 =	smul.u32 $0xF7A, s1;
	s8 =	simm.s32 @!p0 $0x1BF5;
	p2 =	por !p2, p0  }
0x20: {  	[sflag:s8] =	ssyncset.s32 @!p0 $0xFFFFF086;
	s6 =	sadd.s32 @!p0 s3, s7;
	s7 =	simm.s32 @!p0 $0x108  }
0x21: {  	s3 =	sadd.s32 s3, s9;
	s6 =	sadd.s32 @!p0 $0x88, s6;
	s7 =	simm.s32 @p2 $0x1082  }
0x22: {  	[simem:s7], [sflag:s8] =	dma.local @!p0 [hbm:s6], $0xF7A  }
0x23: {  	s9 =	sor.u32 $0xD0000000, s2;
	s6 =	simm.s32 $0x108;
	_ =	swait.ge @!p0 [sflag:s8], $0x0  }
0x24: {  	s3 =	sadd.s32 $0x88, s3;
	s6 =	simm.s32 @!p1 $0x1082;
	[sflag:s4] =	ssyncset.s32 $0xFFFFF086  }
0x25: {  	[simem:s6], [sflag:s4] =	dma.local [hbm:s3], $0xF7A  }
0x26: {  	[smem:$0x3F91] =	sst s1;
	(tag) =	ssettag s2;
	_ =	strace s9  }
0x27: {  	s1 =	sld [smem:$0x3FA1]  }
0x28: {  	s2 =	sld [smem:$0x3FA2]  }
0x29: {  	s4 =	sld [smem:$0x3FA4]  }
0x2a: {  	p0 =	seq.s32 s5, $0x0;
	s5 =	sld [smem:$0x3FA5]  }
0x2b: {  	s6 =	sld [smem:$0x3FA6]  }
0x2c: {  	s7 =	sld [smem:$0x3FA7]  }
0x2d: {  	s3 =	simm.s32 $0x108;
	s8 =	sld [smem:$0x3FA8]  }
0x2e: {  	s3 =	simm.s32 @!p0 $0x1082;
	s9 =	sld [smem:$0x3FA9]  }
0x2f: {  	lr =	sadd.s32 s0, s3;
	s0 =	sld [smem:$0x3FA0]  }
0x30: {  	s3 =	sld [smem:$0x3FA3]  }
0x31: {  	[smem:$0x3FAC] =	sst s10  }
0x32: {  	s10 =	sld [smem:$0x3FAA];
	_ =	sdelay $0x3  }
0x33: {  	p0 =	seq.s32 s10, $0x1;
	s10 =	sld [smem:$0x3FAC];
	_ =	sdelay $0x3  }
0x34: {  	[smem:$0x3FAC] =	sst s10  }
0x35: {  	s10 =	sld [smem:$0x3FAB];
	_ =	sdelay $0x3  }
0x36: {  	p1 =	seq.s32 s10, $0x1;
	s10 =	sld [smem:$0x3FAC];
	_ =	sdelay $0x3  }
0x37: {  	[smem:$0x3FAC] =	sst s10  }
0x38: {  	s10 =	sld [smem:$0x3FAD]  }
0x39: {  	_ = 	snop;
	(pc) =	sbr.ind lr, $3  }
0x3a: {  	_ = 	snop  }
0x3b: {  	_ = 	snop  }
0x3c: {  	p2 =	seq.s32 s10, $0x1;
	s10 =	sld [smem:$0x3FAC]  }
0x3d: {  	_ =	shalt  }
0x3e: {  	_ =	shalt  }
0x3f: {  	_ =	shalt  }
0x40: {  	_ =	shalt  }
0x41: {  	_ =	shalt  }
0x42: {  	_ =	shalt  }
0x43: {  	_ =	shalt  }
0x44: {  	_ =	shalt  }
0x45: {  	_ =	shalt  }
0x46: {  	_ =	shalt  }
0x47: {  	_ =	shalt  }
0x48: {  	_ =	shalt  }
0x49: {  	_ =	shalt  }
0x4a: {  	_ =	shalt  }
0x4b: {  	_ =	shalt  }
0x4c: {  	_ =	shalt  }
0x4d: {  	_ =	shalt  }
0x4e: {  	_ =	shalt  }
0x4f: {  	_ =	shalt  }
0x50: {  	_ =	shalt  }
0x51: {  	_ =	shalt  }
0x52: {  	_ =	shalt  }
0x53: {  	_ =	shalt  }
0x54: {  	_ =	shalt  }
0x55: {  	_ =	shalt  }
0x56: {  	_ =	shalt  }
0x57: {  	_ =	shalt  }
0x58: {  	_ =	shalt  }
0x59: {  	_ =	shalt  }
0x5a: {  	_ =	shalt  }
0x5b: {  	_ =	shalt  }
0x5c: {  	_ =	shalt  }
0x5d: {  	_ =	shalt  }
0x5e: {  	_ =	shalt  }
0x5f: {  	_ =	shalt  }
0x60: {  	_ =	shalt  }
0x61: {  	_ =	shalt  }
0x62: {  	_ =	shalt  }
0x63: {  	_ =	shalt  }
0x64: {  	_ =	shalt  }
0x65: {  	_ =	shalt  }
0x66: {  	_ =	shalt  }
0x67: {  	_ =	shalt  }
0x68: {  	_ =	shalt  }
0x69: {  	_ =	shalt  }
0x6a: {  	_ =	shalt  }
0x6b: {  	_ =	shalt  }
0x6c: {  	_ =	shalt  }
0x6d: {  	_ =	shalt  }
0x6e: {  	_ =	shalt  }
0x6f: {  	_ =	shalt  }
0x70: {  	_ =	shalt  }
0x71: {  	_ =	shalt  }
0x72: {  	_ =	shalt  }
0x73: {  	_ =	shalt  }
0x74: {  	_ =	shalt  }
0x75: {  	_ =	shalt  }
0x76: {  	_ =	shalt  }
0x77: {  	_ =	shalt  }
0x78: {  	_ =	shalt  }
0x79: {  	_ =	shalt  }
0x7a: {  	_ =	shalt  }
0x7b: {  	_ =	shalt  }
0x7c: {  	_ =	shalt  }
0x7d: {  	_ =	shalt  }
0x7e: {  	_ =	shalt  }
0x7f: {  	_ =	shalt  }
0x80: {  	_ =	shalt  }
0x81: {  	_ =	shalt  }
0x82: {  	_ =	shalt  }
0x83: {  	_ =	shalt  }
0x84: {  	_ =	shalt  }
0x85: {  	_ =	shalt  }
0x86: {  	_ =	shalt  }
0x87: {  	_ =	shalt  }
.Lfunc_end0:
.L_simem_size_0:
called_computation_lowered:
.L_overlay_start_0:
0x88: {  	s2 =	sld [smem:$0x3FD9]  }
0x89: {  	s3 =	sld [smem:$0x3FFE];
	_ =	sdelay $0x1  }
0x8a: {  	s1 =	srdreg.scid  }
0x8b: {  	s0 =	sand.u32 $0x1, s1  }
0x8c: {  	s16 =	sshll.u32 s0, $0xA;
	s2 =	sadd.s32 s3, s2  }
0x8d: {  	s2 =	sadd.s32 s2, s16  }
0x8e: {  	[smem:$0x3FB8] =	sst s2  }
0x8f: {  	_ = 	snop  }
0x90: {  	(tm) =	ssettm $0x1  }
0x91: {  	s17 =	sld [smem:$0x3FFB];
	_ =	sdelay $0x3  }
0x92: {  	_ =	strace s17  }
0x93: {  	s2 =	sld [smem:$0x3FFC];
	_ =	sdelay $0x3  }
0x94: {  	_ =	strace s2  }
0x95: {  	s2 =	sld [smem:$0x3FFD];
	_ =	sdelay $0x3  }
0x96: {  	_ =	strace s2  }
0x97: {  	_ =	strace $0x8FFFFFFF  }
0x98: {  	s18 =	sld [smem:$0x3FDB];
	_ =	sdelay $0x1  }
0x99: {  	s19 =	simm.s32 $_scs_section_size  }
0x9a: {  	s4 =	simm.s32 $_size__tile_overlayer_lowered;
	s5 =	simm.s32 $_tile_overlayer_lowered  }
0x9b: {  	s22 =	simm.s32 $0x1BFF;
	s21 =	sshll.u32 s5, $0x1;
	s2 =	sadd.s32 s19, s18  }
0x9c: {  	s6 =	simm.s32 $0x0;
	s20 =	sshll.u32 s4, $0x1;
	s4 =	sadd.s32 s21, s2  }
0x9d: {  	[timem:s6], [sflag:s22] =	dma.local [hbm:s4], s20  }
0x9e: {  	_ =	swait.ge [sflag:s22], s20  }
0x9f: {  	s3 =	ssub.s32 $0x0, s20;
	[sflag:s22] =	ssyncset.done $0x0  }
0xa0: {  	[sflag:s22] =	ssyncadd.s32 s3;
	_ =	sdelay $0x1  }
0xa1: {  	s23 =	simm.s32 $0x1B8B  }
0xa2: {  	_ =	swait.ge [sflag:s23], $0x1  }
0xa3: {  	[sflag:s23] =	ssyncset.done $0x0  }
0xa4: {  	s25 =	simm.s32 $0x1B8E;
	s24 =	sld [smem:$0x3FFE];
	[sflag:s23] =	ssyncadd.s32 $0xFFFFFFFF  }
0xa5: {  	s26 =	simm.s32 $execute0_lowered;
	[smem:$0x3FD2] =	sst s25  }
0xa6: {  	s4 =	sshll.u32 s26, $0x1;
	_ =	strace $0x80000046;
	[dreg:$0x1] =	wrdreg $0xFFFFFFFF  }
0xa7: {  	s28 =	simm.s32 $_size_execute0_lowered;
	s2 =	sadd.s32 s2, s4;
	[dreg:$0x0] =	wrdreg $0x0  }
0xa8: {  	s4 =	sshll.u32 s28, $0x1;
	[dreg:$0x2] =	wrdreg s2  }
0xa9: {  	[dreg:$0x3] =	wrdreg s4  }
0xaa: {  	[dreg:$0x4] =	wrdreg $0xC0  }
0xab: {  	_ =	task [dreg:s6], $0x5FFFF  }
0xac: {  	[dreg:$0x1] =	wrdreg $0xFFFFFFFF  }
0xad: {  	[dreg:$0x0] =	wrdreg $0x60  }
0xae: {  	[dreg:$0x2] =	wrdreg s24  }
0xaf: {  	[dreg:$0x3] =	wrdreg $0x68000  }
0xb0: {  	[dreg:$0x4] =	wrdreg $0x9  }
0xb1: {  	_ =	task.clear_ibuf [dreg:s6], $0x5FFFF;
	_ =	strace $0x90000046  }
0xb2: {  	s29 =	simm.s32 $0x9;
	_ =	strace $0x80000048  }
0xb3: {  	_ =	swait.ge [sflag:s29], $0x1  }
0xb4: {  	[sflag:s29] =	ssyncadd.s32 $0xFFFFFFFF  }
0xb5: {  	_ =	strace $0x90000048  }
0xb6: {  	_ =	sfence  }
0xb7: {  	s30 =	sld [smem:$0x0];
	_ =	sdelay $0x2  }
0xb8: {  	s31 =	sshll.u32 s1, $0xD;
	s1 =	sshrl.u32 s1, $0x2  }
0xb9: {  	s3 =	sand.u32 $0x4000, s31;
	s1 =	sadd.s32 s1, s30  }
0xba: {  	s0 =	sor.u32 s3, s0;
	s1 =	sshll.u32 s1, $0x11  }
0xbb: {  	s0 =	sor.u32 s1, s0  }
0xbc: {  	s0 =	sadd.s32 $0x8F2B, s0  }
0xbd: {  	[sflag:s0] =	ssyncadd.remote.s32 $0x1  }
0xbe: {  	_ =	sfence.sel $0xFFFF  }
0xbf: {  	[dreg:$0x0] =	wrdreg $0xFFFFFFFF;
	(pc) =	sbr.abs _section_cstart, $3  }
0xc0: {  	[dreg:$0x1] =	wrdreg $0xFFFFFFFF  }
0xc1: {  	_ =	task.clear_ibuf [dreg:s6], $0x2FFFF;
	_ =	strace $0x9FFFFFFF  }
0xc2: {  	(tm) =	ssettm $0x7FFFFFFF  }
0xc3: {  	_ =	shalt  }
tec
execute0_lowered:
.L_overlay_start_1:
0x0: {  	(tag) =	ssettag $0x1  }
0x1: {  	s1 =	srdreg.scid;
	s7 =	rddreg [dreg:$0x0]  }
0x2: {  	s0 =	stileid.u32;
	s2 =	rddreg [dreg:$0x1]  }
0x3: {  	s3 =	simm.s32 $0x0;
	s13 =	simm.s32 $0x80;
	s14 =	simm.s32 $0x1  }
0x4: {  	s15 =	simm.s32 $0x0;
	s6 =	sand.u32 $0x1, s1;
	s8 =	smul.u32 $0x14000, s0  }
0x5: {  	s30 =	sshll.u32 s0, $0x1;
	[smem:$0x7FF] =	sst s3;
	s10 =	smul.u32 $0x50000, s0  }
0x6: {  	s11 =	sshll.u32 s0, $0x6;
	s1 =	sor.u32 s6, s30;
	s5 =	smul.u32 $0x140000, s6  }
0x7: {  	s6 =	ssub.s32 $0x2, s6;
	s4 =	smul.u32 $0x500, s1;
	s1 =	rddreg [dreg:$0x2]  }
0x8: {  	_ =	strace $0x80000047;
	s31 =	sshrl.u32 s6, $0x1;
	s10 =	sshrl.u32 s10, $0x2  }
0x9: {  	s5 =	sadd.s32 s8, s5;
	s12 =	ssub.s32 s6, s31;
	s10 =	sadd.s32 s10, s2  }
0xa: {  	s6 =	sor.u32 $0x1C02, s11;
	s11 =	simm.s32 $0x2;
	s9 =	sadd.s32 s4, s7  }
0xb: {  	s4 =	sadd.s32 $0x1B400, s7;
	s8 =	sshrl.u32 s5, $0x3;
	s5 =	sadd.s32 $0x18C00, s7  }
0xc: {  	s10 =	sshrl.u32 s10, $0x3;
	s8 =	sadd.s32 s8, s7;
	s7 =	sadd.s32 $0xEC00, s9  }
0xd: {  	s9 =	smax.u32 s12, $0x1;
	s12 =	simm.s32 $0x2800;
	s8 =	sadd.s32 $0x1BC00, s8  }
.LBB2_1:
0xe: {  	[spmem:s10], [sflag:s6] =	dma.local [hbm:s5], $0x2800  }
0xf: {  	_ =	swait.ge [sflag:s11], $0x2800  }
0x10: {  	[sflag:s11] =	ssyncset.done $0x0  }
0x11: {  	[sflag:s11] =	ssyncadd.s32 $0xFFFFD800  }
0x12: {  	[tilespmem:s12], [sflag:$0x2] =	stream.linear.gather [hbm4b:s4+s3], $0x4000, $0x38;
	[tilespmem:$0x9000] =	vst v63  }
0x13: {  	_ =	swait.ge [sflag:s11], $0x4000  }
0x14: {  	[sflag:s11] =	ssyncset.done $0x0  }
0x15: {  	[sflag:s11] =	ssyncadd.s32 $0xFFFFC000  }
0x16: {  	[tilespmem:s3], [sflag:$0x2] =	stream.linear.gather [hbm4b:s7+s3], $0x2800, $0x38;
	[tilespmem:$0x9000] =	vst v63  }
0x17: {  	_ =	swait.ge [sflag:s11], $0x2800  }
0x18: {  	[sflag:s11] =	ssyncset.done $0x0  }
0x19: {  	[sflag:s11] =	ssyncadd.s32 $0xFFFFD800  }
0x1a: {  	s16 =	simm.s32 $0x0;
	[bflag:$0x0] =	sbarrier.arrive $0xFFFF  }
0x1b: {  	[spmem:s2] =	stream.indirect.scatter.add.f32 [tilespmem:s12], [sflag:$0x1], $0x10, s16, s13, $0xb8;
	[tilespmem:$0x9000] =	vst v63  }
0x1c: {  	s24 =	simm.s32 $0x80  }
0x1d: {  	[spmem:s2] =	stream.indirect.scatter.add.f32 [tilespmem:s12], [sflag:$0x1], $0x10, s24, s13, $0xb8;
	[tilespmem:$0x9000] =	vst v63  }
0x1e: {  	s25 =	simm.s32 $0x100  }
0x1f: {  	[spmem:s2] =	stream.indirect.scatter.add.f32 [tilespmem:s12], [sflag:$0x1], $0x10, s25, s13, $0xb8;
	[tilespmem:$0x9000] =	vst v63  }
0x20: {  	s26 =	simm.s32 $0x180  }
0x21: {  	[spmem:s2] =	stream.indirect.scatter.add.f32 [tilespmem:s12], [sflag:$0x1], $0x10, s26, s13, $0xb8;
	[tilespmem:$0x9000] =	vst v63  }
0x22: {  	s28 =	simm.s32 $0x200  }
0x23: {  	[spmem:s2] =	stream.indirect.scatter.add.f32 [tilespmem:s12], [sflag:$0x1], $0x10, s28, s13, $0xb8;
	[tilespmem:$0x9000] =	vst v63  }
0x24: {  	s29 =	simm.s32 $0x280  }
0x25: {  	[spmem:s2] =	stream.indirect.scatter.add.f32 [tilespmem:s12], [sflag:$0x1], $0x10, s29, s13, $0xb8;
	[tilespmem:$0x9000] =	vst v63  }
0x26: {  	s30 =	simm.s32 $0x300  }
0x27: {  	[spmem:s2] =	stream.indirect.scatter.add.f32 [tilespmem:s12], [sflag:$0x1], $0x10, s30, s13, $0xb8;
	[tilespmem:$0x9000] =	vst v63  }
0x28: {  	s31 =	simm.s32 $0x380  }
0x29: {  	[spmem:s2] =	stream.indirect.scatter.add.f32 [tilespmem:s12], [sflag:$0x1], $0x10, s31, s13, $0xb8;
	[tilespmem:$0x9000] =	vst v63  }
0x2a: {  	_ =	swait.ge [sflag:s14], $0x800  }
0x2b: {  	[sflag:s14] =	ssyncset.done $0x0  }
0x2c: {  	[sflag:s14] =	ssyncadd.s32 $0xFFFFF800  }
0x2d: {  	_ =	swait.ge [sflag:s14], $0x800  }
0x2e: {  	[sflag:s14] =	ssyncset.done $0x0  }
0x2f: {  	[sflag:s14] =	ssyncadd.s32 $0xFFFFF800  }
0x30: {  	_ =	swait.ge [sflag:s14], $0x800  }
0x31: {  	[sflag:s14] =	ssyncset.done $0x0  }
0x32: {  	[sflag:s14] =	ssyncadd.s32 $0xFFFFF800  }
0x33: {  	_ =	swait.ge [sflag:s14], $0x800  }
0x34: {  	[sflag:s14] =	ssyncset.done $0x0  }
0x35: {  	[sflag:s14] =	ssyncadd.s32 $0xFFFFF800  }
0x36: {  	_ =	swait.ge [sflag:s14], $0x800  }
0x37: {  	[sflag:s14] =	ssyncset.done $0x0  }
0x38: {  	[sflag:s14] =	ssyncadd.s32 $0xFFFFF800  }
0x39: {  	_ =	swait.ge [sflag:s14], $0x800  }
0x3a: {  	[sflag:s14] =	ssyncset.done $0x0  }
0x3b: {  	[sflag:s14] =	ssyncadd.s32 $0xFFFFF800  }
0x3c: {  	_ =	swait.ge [sflag:s14], $0x800  }
0x3d: {  	[sflag:s14] =	ssyncset.done $0x0  }
0x3e: {  	[sflag:s14] =	ssyncadd.s32 $0xFFFFF800  }
0x3f: {  	_ =	swait.ge [sflag:s14], $0x800  }
0x40: {  	s18 =	simm.s32 $0x2000;
	s16 =	simm.s32 $0x1000;
	[sflag:s14] =	ssyncset.done $0x0  }
.LBB2_2:
0x41: {  	s19 =	sshra.s32 s16, $0x2  }
0x42: {  	[sflag:s14] =	ssyncadd.s32 $0xFFFFF800;
	s16 =	smov.u32 s18;
	s17 =	sadd.s32 $0x1000, s18  }
0x43: {  	[spmem:s2] =	stream.indirect.scatter.add.f32 [tilespmem:s12], [sflag:$0x1], $0x10, s19, s13, $0xb8;
	[tilespmem:$0x9000] =	vst v63  }
0x44: {  	p0 =	sne.s32 s18, $0x9000;
	s18 =	sadd.s32 $0x80, s19  }
0x45: {  	[spmem:s2] =	stream.indirect.scatter.add.f32 [tilespmem:s12], [sflag:$0x1], $0x10, s18, s13, $0xb8;
	[tilespmem:$0x9000] =	vst v63  }
0x46: {  	s18 =	sadd.s32 $0x100, s19  }
0x47: {  	[spmem:s2] =	stream.indirect.scatter.add.f32 [tilespmem:s12], [sflag:$0x1], $0x10, s18, s13, $0xb8;
	[tilespmem:$0x9000] =	vst v63  }
0x48: {  	s18 =	sadd.s32 $0x180, s19  }
0x49: {  	[spmem:s2] =	stream.indirect.scatter.add.f32 [tilespmem:s12], [sflag:$0x1], $0x10, s18, s13, $0xb8;
	[tilespmem:$0x9000] =	vst v63  }
0x4a: {  	s18 =	sadd.s32 $0x200, s19  }
0x4b: {  	[spmem:s2] =	stream.indirect.scatter.add.f32 [tilespmem:s12], [sflag:$0x1], $0x10, s18, s13, $0xb8;
	[tilespmem:$0x9000] =	vst v63  }
0x4c: {  	s18 =	sadd.s32 $0x280, s19  }
0x4d: {  	[spmem:s2] =	stream.indirect.scatter.add.f32 [tilespmem:s12], [sflag:$0x1], $0x10, s18, s13, $0xb8;
	[tilespmem:$0x9000] =	vst v63  }
0x4e: {  	s18 =	sadd.s32 $0x300, s19  }
0x4f: {  	[spmem:s2] =	stream.indirect.scatter.add.f32 [tilespmem:s12], [sflag:$0x1], $0x10, s18, s13, $0xb8;
	[tilespmem:$0x9000] =	vst v63  }
0x50: {  	s18 =	sadd.s32 $0x380, s19  }
0x51: {  	[spmem:s2] =	stream.indirect.scatter.add.f32 [tilespmem:s12], [sflag:$0x1], $0x10, s18, s13, $0xb8;
	[tilespmem:$0x9000] =	vst v63  }
0x52: {  	_ =	swait.ge [sflag:s14], $0x800  }
0x53: {  	[sflag:s14] =	ssyncset.done $0x0  }
0x54: {  	[sflag:s14] =	ssyncadd.s32 $0xFFFFF800  }
0x55: {  	_ =	swait.ge [sflag:s14], $0x800  }
0x56: {  	[sflag:s14] =	ssyncset.done $0x0  }
0x57: {  	[sflag:s14] =	ssyncadd.s32 $0xFFFFF800  }
0x58: {  	_ =	swait.ge [sflag:s14], $0x800  }
0x59: {  	[sflag:s14] =	ssyncset.done $0x0  }
0x5a: {  	[sflag:s14] =	ssyncadd.s32 $0xFFFFF800  }
0x5b: {  	_ =	swait.ge [sflag:s14], $0x800  }
0x5c: {  	[sflag:s14] =	ssyncset.done $0x0  }
0x5d: {  	[sflag:s14] =	ssyncadd.s32 $0xFFFFF800  }
0x5e: {  	_ =	swait.ge [sflag:s14], $0x800  }
0x5f: {  	[sflag:s14] =	ssyncset.done $0x0  }
0x60: {  	[sflag:s14] =	ssyncadd.s32 $0xFFFFF800  }
0x61: {  	_ =	swait.ge [sflag:s14], $0x800  }
0x62: {  	[sflag:s14] =	ssyncset.done $0x0  }
0x63: {  	[sflag:s14] =	ssyncadd.s32 $0xFFFFF800  }
.Ltmp0:
0x64: {  	_ =	swait.ge [sflag:s14], $0x800;
	(pc) =	sbr.rel @p0 .LBB2_2-.Ltmp0, $4  }
0x65: {  	[sflag:s14] =	ssyncset.done $0x0  }
0x66: {  	[sflag:s14] =	ssyncadd.s32 $0xFFFFF800  }
0x67: {  	_ =	swait.ge [sflag:s14], $0x800  }
0x68: {  	s18 =	smov.u32 s17;
	[sflag:s14] =	ssyncset.done $0x0  }
0x69: {  	s16 =	sshra.s32 s16, $0x2;
	[sflag:s14] =	ssyncadd.s32 $0xFFFFF800  }
0x6a: {  	[spmem:s2] =	stream.indirect.scatter.add.f32 [tilespmem:s12], [sflag:$0x1], $0x10, s16, s13, $0xb8;
	[tilespmem:$0x9000] =	vst v63  }
0x6b: {  	s17 =	sadd.s32 $0x80, s16  }
0x6c: {  	[spmem:s2] =	stream.indirect.scatter.add.f32 [tilespmem:s12], [sflag:$0x1], $0x10, s17, s13, $0xb8;
	[tilespmem:$0x9000] =	vst v63  }
0x6d: {  	s26 =	sadd.s32 $0x100, s16  }
0x6e: {  	[spmem:s2] =	stream.indirect.scatter.add.f32 [tilespmem:s12], [sflag:$0x1], $0x10, s26, s13, $0xb8;
	[tilespmem:$0x9000] =	vst v63  }
0x6f: {  	s28 =	sadd.s32 $0x180, s16  }
0x70: {  	[spmem:s2] =	stream.indirect.scatter.add.f32 [tilespmem:s12], [sflag:$0x1], $0x10, s28, s13, $0xb8;
	[tilespmem:$0x9000] =	vst v63  }
0x71: {  	s29 =	sadd.s32 $0x200, s16  }
0x72: {  	[spmem:s2] =	stream.indirect.scatter.add.f32 [tilespmem:s12], [sflag:$0x1], $0x10, s29, s13, $0xb8;
	[tilespmem:$0x9000] =	vst v63  }
0x73: {  	s30 =	sadd.s32 $0x280, s16  }
0x74: {  	[spmem:s2] =	stream.indirect.scatter.add.f32 [tilespmem:s12], [sflag:$0x1], $0x10, s30, s13, $0xb8;
	[tilespmem:$0x9000] =	vst v63  }
0x75: {  	s31 =	sadd.s32 $0x300, s16  }
0x76: {  	[spmem:s2] =	stream.indirect.scatter.add.f32 [tilespmem:s12], [sflag:$0x1], $0x10, s31, s13, $0xb8;
	[tilespmem:$0x9000] =	vst v63  }
0x77: {  	s16 =	sadd.s32 $0x380, s16  }
0x78: {  	[spmem:s2] =	stream.indirect.scatter.add.f32 [tilespmem:s12], [sflag:$0x1], $0x10, s16, s13, $0xb8;
	[tilespmem:$0x9000] =	vst v63  }
0x79: {  	_ =	swait.ge [sflag:s14], $0x800  }
0x7a: {  	[sflag:s14] =	ssyncset.done $0x0  }
0x7b: {  	[sflag:s14] =	ssyncadd.s32 $0xFFFFF800  }
0x7c: {  	_ =	swait.ge [sflag:s14], $0x800  }
0x7d: {  	[sflag:s14] =	ssyncset.done $0x0  }
0x7e: {  	[sflag:s14] =	ssyncadd.s32 $0xFFFFF800  }
0x7f: {  	_ =	swait.ge [sflag:s14], $0x800  }
0x80: {  	[sflag:s14] =	ssyncset.done $0x0  }
0x81: {  	[sflag:s14] =	ssyncadd.s32 $0xFFFFF800  }
0x82: {  	_ =	swait.ge [sflag:s14], $0x800  }
0x83: {  	[sflag:s14] =	ssyncset.done $0x0  }
0x84: {  	[sflag:s14] =	ssyncadd.s32 $0xFFFFF800  }
0x85: {  	_ =	swait.ge [sflag:s14], $0x800  }
0x86: {  	[sflag:s14] =	ssyncset.done $0x0  }
0x87: {  	[sflag:s14] =	ssyncadd.s32 $0xFFFFF800  }
0x88: {  	_ =	swait.ge [sflag:s14], $0x800  }
0x89: {  	[sflag:s14] =	ssyncset.done $0x0  }
0x8a: {  	[sflag:s14] =	ssyncadd.s32 $0xFFFFF800  }
0x8b: {  	_ =	swait.ge [sflag:s14], $0x800  }
0x8c: {  	[sflag:s14] =	ssyncset.done $0x0  }
0x8d: {  	[sflag:s14] =	ssyncadd.s32 $0xFFFFF800  }
0x8e: {  	_ =	swait.ge [sflag:s14], $0x800  }
0x8f: {  	s15 =	sadd.s32 $0x1, s15;
	[sflag:s14] =	ssyncset.done $0x0  }
0x90: {  	p0 =	sne.s32 s15, s9;
	[sflag:s14] =	ssyncadd.s32 $0xFFFFF800  }
.Ltmp1:
0x91: {  	[bflag:$0x0] =	sbarrier.arrive $0xFFFF;
	(pc) =	sbr.rel @p0 .LBB2_1-.Ltmp1, $4  }
0x92: {  	[hbm:s8], [sflag:s6] =	dma.local [spmem:s10], $0x2800  }
0x93: {  	_ =	swait.ge [sflag:s11], $0x2800  }
0x94: {  	[sflag:s11] =	ssyncset.done $0x0  }
0x95: {  	[sflag:s11] =	ssyncadd.s32 $0xFFFFD800  }
0x96: {  	_ =	sfence.sel $0x180000  }
0x97: {  	[bflag:$0x0] =	sbarrier.arrive $0xFFFF  }
0x98: {  	p0 =	sne.s32 s0, $0x0;
	_ =	strace $0x90000047  }
0x99: {  	s0 =	sadd.s32 @!p0 $0x100000, s1;
	[bflag:$0x2] =	sbarrier.arrive $0xFFFF  }
0x9a: {  	[sflag:s0] =	ssyncadd.tile.s32 @!p0 $0x1;
	_ =	shalt  }
.Lfunc_end2:
_tile_overlayer_lowered:
.L_overlay_start_2:
0x9b: {  	(tag) =	ssettag $0x2  }
0x9c: {  	s0 =	rddreg [dreg:$0x0];
	s2 =	stileid.u32  }
0x9d: {  	s1 =	rddreg [dreg:$0x1];
	p0 =	sne.s32 s2, $0x0  }
0x9e: {  	s3 =	rddreg [dreg:$0x2];
	[bflag:$0x3] =	sbarrier.arrive $0xFFFF;
	s2 =	simm.s32 @!p0 $0x1C02  }
0x9f: {  	[timem:s3], [sflag:s2] =	dma.local @!p0 [hbm:s0], s1  }
0xa0: {  	s0 =	simm.s32 @!p0 $0x2  }
0xa1: {  	_ =	swait.ge @!p0 [sflag:s0], s1  }
0xa2: {  	s1 =	ssub.s32 @!p0 $0x0, s1;
	[sflag:s0] =	ssyncset.done @!p0 $0x0  }
0xa3: {  	[sflag:s0] =	ssyncadd.s32 @!p0 s1  }
0xa4: {  	[bflag:$0x3] =	sbarrier.arrive $0xFFFF  }
0xa5: {  	_ =	shalt  }

</sc_bundles>
